<compile_context>
chip_gen: v7x
topology: tpu7x:2x2x1
jax: 0.10.2.dev20260603
libtpu: 0.0.44.dev20260713+nightly
codegen_flags: <defaults>
</compile_context>

<pallas_src>
import functools

import jax
import jax.numpy as jnp
from jax import lax
from jax.experimental import pallas as pl
from jax.experimental.pallas import tpu as pltpu
from jax.experimental.pallas import tpu_sc as plsc

N = 50000
E = 800000
D = 100
H = 2
C = 50
TDIM = 100
MSG = 100
W = 128
CW = 128


PB = 2000


def _proj_kernel(x_ref, lu_ref, wq_ref, bq_ref, wk_ref, bk_ref, wv_ref, bv_ref,
                 ws_ref, bs_ref, q_ref, k_ref, v_ref, skip_ref):
    xb = x_ref[:]
    scale = 1.0 / (C ** 0.5)
    q_ref[:] = (jnp.dot(xb, wq_ref[:], preferred_element_type=jnp.float32)
                + bq_ref[:]) * scale
    k_ref[:] = jnp.dot(xb, wk_ref[:], preferred_element_type=jnp.float32) + bk_ref[:]
    vd = jnp.dot(xb, wv_ref[:], preferred_element_type=jnp.float32) + bv_ref[:]
    lane = lax.broadcasted_iota(jnp.int32, (PB, W), 1)
    v_ref[:] = jnp.where(lane == D, lu_ref[:], vd)
    skip_ref[:] = jnp.dot(xb, ws_ref[:], preferred_element_type=jnp.float32) + bs_ref[:]


def _projections(x, lu, Wq, bq, Wk, bk, Wv, bv, Wskip, bskip):
    const = lambda i: (0, 0)
    blk = lambda i: (i, 0)
    w_spec = pl.BlockSpec((D, W), const)
    b_spec = pl.BlockSpec((1, W), const)
    o_spec = pl.BlockSpec((PB, W), blk)
    pad_w = lambda w: jnp.pad(w, ((0, 0), (0, W - D)))
    pad_b = lambda b: jnp.pad(b.reshape(1, D), ((0, 0), (0, W - D)))
    return pl.pallas_call(
        _proj_kernel,
        grid=(N // PB,),
        in_specs=[pl.BlockSpec((PB, D), blk), pl.BlockSpec((PB, 1), blk),
                  w_spec, b_spec, w_spec, b_spec, w_spec, b_spec,
                  pl.BlockSpec((D, D), const), pl.BlockSpec((1, D), const)],
        out_specs=[o_spec, o_spec, o_spec, pl.BlockSpec((PB, D), blk)],
        out_shape=[jax.ShapeDtypeStruct((N, W), jnp.float32),
                   jax.ShapeDtypeStruct((N, W), jnp.float32),
                   jax.ShapeDtypeStruct((N, W), jnp.float32),
                   jax.ShapeDtypeStruct((N, D), jnp.float32)],
        compiler_params=pltpu.CompilerParams(
            dimension_semantics=("arbitrary",),
        ),
    )(x, lu.reshape(N, 1), pad_w(Wq), pad_b(bq), pad_w(Wk), pad_b(bk),
      pad_w(Wv), pad_b(bv), Wskip, bskip.reshape(1, D))



NW = 32
GQ = 128
NG = E // GQ
GPW = (NG + NW - 1) // NW


def _gather_body(k_hbm, v_hbm, q_hbm, src_hbm, dst_hbm,
                 ks_hbm, vs_hbm, qd_hbm,
                 sidx_v, didx_v, k_v, v_v, q_v,
                 sem1, sem2, sem3):
    c = lax.axis_index("c")
    s = lax.axis_index("s")
    wid = s * 2 + c

    def body(i, _):
        g = wid + NW * i

        @pl.when(g < NG)
        def _():
            base = g * GQ
            pltpu.sync_copy(src_hbm.at[pl.ds(base, GQ)], sidx_v)
            pltpu.sync_copy(dst_hbm.at[pl.ds(base, GQ)], didx_v)
            cp1 = pltpu.async_copy(k_hbm.at[sidx_v], k_v, sem1)
            cp2 = pltpu.async_copy(v_hbm.at[sidx_v], v_v, sem2)
            cp3 = pltpu.async_copy(q_hbm.at[didx_v], q_v, sem3)
            cp1.wait()
            cp2.wait()
            cp3.wait()
            pltpu.sync_copy(k_v, ks_hbm.at[pl.ds(base, GQ)])
            pltpu.sync_copy(v_v, vs_hbm.at[pl.ds(base, GQ)])
            pltpu.sync_copy(q_v, qd_hbm.at[pl.ds(base, GQ)])
        return 0

    lax.fori_loop(0, GPW, body, 0)


def _sc_gather(k, v, q, src, dst):
    mesh = plsc.VectorSubcoreMesh(core_axis_name="c", subcore_axis_name="s")
    fn = pl.kernel(
        _gather_body,
        mesh=mesh,
        out_type=[
            jax.ShapeDtypeStruct((E, W), jnp.float32),
            jax.ShapeDtypeStruct((E, W), jnp.float32),
            jax.ShapeDtypeStruct((E, W), jnp.float32),
        ],
        scratch_types=[
            pltpu.VMEM((GQ,), jnp.int32),
            pltpu.VMEM((GQ,), jnp.int32),
            pltpu.VMEM((GQ, W), jnp.float32),
            pltpu.VMEM((GQ, W), jnp.float32),
            pltpu.VMEM((GQ, W), jnp.float32),
            pltpu.SemaphoreType.DMA,
            pltpu.SemaphoreType.DMA,
            pltpu.SemaphoreType.DMA,
        ],
    )
    return fn(k, v, q, src, dst)



EB = 2000
NB = E // EB


def _edge_pass_kernel(t_ref, msg_ref, qd_ref, ks_ref, vs_ref,
                      wt_ref, bt_ref, we1_ref, we2_ref, contrib_ref):
    rel = vs_ref[:, D:D + 1] - t_ref[:]
    enc = jnp.cos(rel * wt_ref[:] + bt_ref[:])
    e = (jnp.dot(enc, we1_ref[:], preferred_element_type=jnp.float32)
         + jnp.dot(msg_ref[:], we2_ref[:], preferred_element_type=jnp.float32))
    kj = ks_ref[:] + e
    vj = vs_ref[:] + e
    prod = qd_ref[:] * kj
    lane = lax.broadcasted_iota(jnp.int32, (EB, W), 1)
    m0 = lane < C
    a0 = jnp.sum(jnp.where(m0, prod, 0.0), axis=1, keepdims=True)
    a1 = jnp.sum(jnp.where(m0, 0.0, prod), axis=1, keepdims=True)
    ex0 = jnp.exp(a0)
    ex1 = jnp.exp(a1)
    attnw = jnp.where(m0, ex0, ex1)
    base = attnw * vj
    base = jnp.where(lane == D + 1, ex0, base)
    base = jnp.where(lane == D + 2, ex1, base)
    contrib_ref[:] = base[:, :CW]


def _edge_pass(t, msg, qd, ks, vs, wt, bt, we1, we2):
    const = lambda i: (0, 0)
    blk = lambda i: (i, 0)
    return pl.pallas_call(
        _edge_pass_kernel,
        grid=(NB,),
        in_specs=[
            pl.BlockSpec((EB, 1), blk),
            pl.BlockSpec((EB, MSG), blk),
            pl.BlockSpec((EB, W), blk),
            pl.BlockSpec((EB, W), blk),
            pl.BlockSpec((EB, W), blk),
            pl.BlockSpec((1, W), const),
            pl.BlockSpec((1, W), const),
            pl.BlockSpec((W, W), const),
            pl.BlockSpec((MSG, W), const),
        ],
        out_specs=pl.BlockSpec((EB, CW), blk),
        out_shape=jax.ShapeDtypeStruct((E, CW), jnp.float32),
        compiler_params=pltpu.CompilerParams(
            dimension_semantics=("arbitrary",),
        ),
    )(t, msg, qd, ks, vs, wt, bt, we1, we2)



PROWS = 12544
ACC_ROWS = PROWS
ZCHUNK = ACC_ROWS // 16
DCHUNK = 784
OUT_ROWS = 4 * PROWS


def _scatter_body(contrib_hbm, idxp_hbm, zeros_hbm, out_hbm,
                  rows0, idx_v, acc, semr0, semi0):
    c = lax.axis_index("c")
    s = lax.axis_index("s")

    SNI = (NG + 15) // 16

    for p_local in range(2):
        pp = 2 * c + p_local
        pbase = pp * PROWS
        pltpu.sync_copy(zeros_hbm, acc.at[pl.ds(s * ZCHUNK, ZCHUNK)])
        plsc.subcore_barrier()

        def body(i, _):
            g = s + 16 * i

            @pl.when(g < NG)
            def _():
                base = g * GQ
                row = pp * NG + g
                cpi = pltpu.async_copy(idxp_hbm.at[pl.ds(row, 1)],
                                       idx_v, semi0)
                cpr = pltpu.async_copy(contrib_hbm.at[pl.ds(base, GQ)], rows0,
                                       semr0)
                cpi.wait()
                cpr.wait()
                pltpu.sync_copy(rows0,
                                acc.at[plsc.Indices(idx_v.at[0],
                                                    ignored_value=-1)],
                                add=True)
            return 0

        lax.fori_loop(0, SNI, body, 0)
        plsc.subcore_barrier()
        pltpu.sync_copy(
            acc.at[pl.ds(s * DCHUNK, DCHUNK)],
            out_hbm.at[pl.ds(pbase + s * DCHUNK, DCHUNK)])
        plsc.subcore_barrier()


def _sc_scatter(contrib, idxp):
    mesh = plsc.VectorSubcoreMesh(core_axis_name="c", subcore_axis_name="s")
    fn = pl.kernel(
        _scatter_body,
        mesh=mesh,
        out_type=jax.ShapeDtypeStruct((OUT_ROWS, CW), jnp.float32),
        scratch_types=[
            pltpu.VMEM((GQ, CW), jnp.float32),
            pltpu.VMEM((1, GQ), jnp.int32),
            pltpu.VMEM_SHARED((ACC_ROWS, CW), jnp.float32),
            pltpu.SemaphoreType.DMA,
            pltpu.SemaphoreType.DMA,
        ],
    )
    zeros = jnp.zeros((ZCHUNK, CW), jnp.float32)
    return fn(contrib, idxp, zeros)



def kernel(x, last_update, edge_index, t, msg,
           Wq, bq, Wk, bk, Wv, bv, We, Wskip, bskip, Wt, bt):
    edge_index = edge_index.astype(jnp.int32)
    src = edge_index[0]
    dst = edge_index[1]
    q, k, v, skip = _projections(x, last_update, Wq, bq, Wk, bk, Wv, bv,
                                 Wskip, bskip)
    ks, vs, qd = _sc_gather(k, v, q, src, dst)
    wt_p = jnp.pad(Wt.reshape(1, TDIM), ((0, 0), (0, W - TDIM)))
    bt_p = jnp.pad(bt.reshape(1, TDIM), ((0, 0), (0, W - TDIM)))
    we1_p = jnp.pad(We[:TDIM], ((0, W - TDIM), (0, W - D)))
    we2_p = jnp.pad(We[TDIM:], ((0, 0), (0, W - D)))
    contrib = _edge_pass(t.reshape(E, 1), msg,
                         qd, ks, vs, wt_p, bt_p, we1_p, we2_p)
    pid = dst // PROWS
    rel = dst - pid * PROWS
    idxp = jnp.where(pid[None, :] == jnp.arange(4, dtype=jnp.int32)[:, None],
                     rel[None, :], -1).reshape(4 * NG, GQ)
    acc = _sc_scatter(contrib, idxp)[:N]
    num = acc[:, :D]
    den = acc[:, D + 1:D + 3]
    denb = jnp.concatenate([
        jnp.repeat(den[:, 0:1], C, axis=1),
        jnp.repeat(den[:, 1:2], C, axis=1)], axis=1)
    out = num / (denb + 1e-16) + skip
    return out

# --- scband reference (transcript-rebuilt; emitter-appended) ---
"""Pipeline reference for scband-tgnmodel-17592186044553 (READ-ONLY COPY).

The authoritative reference and input builder live on the scoring server;
editing this copy changes nothing except your own understanding.
"""

import jax, jax.numpy as jnp
import numpy as np

N = 50000
E = 800000
D = 100        # memory_dim == embedding_dim
MSG = 100      # msg_dim
TDIM = 100     # time_dim
H = 2          # heads
C = D // H     # out_channels per head (embedding_dim//2)
EDGE_DIM = MSG + TDIM


def setup_inputs(seed: int = 0) -> dict:
    key = jax.random.key(seed)
    ks = [jax.random.fold_in(key, i) for i in range(16)]
    x = jax.random.normal(ks[0], (N, D), dtype=jnp.float32)
    last_update = jax.random.uniform(ks[1], (N,), dtype=jnp.float32) * 1000.0
    edge_index = jax.random.randint(ks[2], (2, E), 0, N, dtype=jnp.int64)
    t = jax.random.uniform(ks[3], (E,), dtype=jnp.float32) * 1000.0
    msg = jax.random.normal(ks[4], (E, MSG), dtype=jnp.float32)
    s = 0.05
    Wq = jax.random.normal(ks[5], (D, H * C), dtype=jnp.float32) * s
    bq = jnp.zeros((H * C,), dtype=jnp.float32)
    Wk = jax.random.normal(ks[6], (D, H * C), dtype=jnp.float32) * s
    bk = jnp.zeros((H * C,), dtype=jnp.float32)
    Wv = jax.random.normal(ks[7], (D, H * C), dtype=jnp.float32) * s
    bv = jnp.zeros((H * C,), dtype=jnp.float32)
    We = jax.random.normal(ks[8], (EDGE_DIM, H * C), dtype=jnp.float32) * s  # lin_edge, bias=False
    Wskip = jax.random.normal(ks[9], (D, H * C), dtype=jnp.float32) * s
    bskip = jnp.zeros((H * C,), dtype=jnp.float32)
    Wt = jax.random.normal(ks[10], (1, TDIM), dtype=jnp.float32) * s  # TimeEncoder linear
    bt = jax.random.normal(ks[11], (TDIM,), dtype=jnp.float32) * s
    return {"x": x, "last_update": last_update, "edge_index": edge_index, "t": t,
            "msg": msg, "Wq": Wq, "bq": bq, "Wk": Wk, "bk": bk, "Wv": Wv, "bv": bv,
            "We": We, "Wskip": Wskip, "bskip": bskip, "Wt": Wt, "bt": bt}


def reference(x, last_update, edge_index, t, msg,
              Wq, bq, Wk, bk, Wv, bv, We, Wskip, bskip, Wt, bt):
    # GraphAttentionEmbedding.forward (eval mode, dropout inactive)
    src = edge_index[0]
    dst = edge_index[1]
    # relative time encoding: TimeEncoder = cos(Linear(rel_t))
    rel_t = last_update[src] - t                      # [E]
    rel_t_enc = jnp.cos(rel_t[:, None] @ Wt + bt)     # [E, TDIM]
    edge_attr = jnp.concatenate([rel_t_enc, msg], axis=-1)  # [E, EDGE_DIM]
    # TransformerConv(in=D, out=C, heads=H, edge_dim=EDGE_DIM)
    q = x @ Wq + bq                                   # [N, H*C]
    k = x @ Wk + bk
    v = x @ Wv + bv
    e = edge_attr @ We                                # [E, H*C]
    q_i = q[dst].reshape(-1, H, C)
    k_j = (k[src] + e).reshape(-1, H, C)
    v_j = (v[src] + e).reshape(-1, H, C)
    alpha = jnp.sum(q_i * k_j, axis=-1) / jnp.sqrt(jnp.float32(C))  # [E, H]
    # segment softmax over destination nodes
    amax = jax.ops.segment_max(alpha, dst, num_segments=N)          # [N, H]
    amax = jnp.where(jnp.isfinite(amax), amax, 0.0)
    ex = jnp.exp(alpha - amax[dst])
    denom = jax.ops.segment_sum(ex, dst, num_segments=N)            # [N, H]
    attn = ex / (denom[dst] + 1e-16)                                # [E, H]
    m = attn[:, :, None] * v_j                                      # [E, H, C]
    out = jax.ops.segment_sum(m, dst, num_segments=N)               # [N, H, C]
    out = out.reshape(N, H * C)
    # root/skip connection (concat=True, beta=False)
    out = out + (x @ Wskip + bskip)
    return out

if __name__ == "__main__":
    import jax
    _d = setup_inputs()
    print(jax.jit(kernel)(*tuple(_d.values())))

</pallas_src>

<mosaic_0001>
#map = affine_map<(d0, d1) -> (0, 0)>
module attributes {stable_mosaic.version = 14 : i64} {
  func.func @_scatter_body(%arg0: i32, %arg1: i32, %arg2: memref<800000x128xf32, #tpu.memory_space<hbm>>, %arg3: memref<25000x128xi32, #tpu.memory_space<hbm>>, %arg4: memref<784x128xf32, #tpu.memory_space<hbm>>, %arg5: memref<50176x128xf32, #tpu.memory_space<hbm>>, %arg6: memref<128x128xf32, #tpu.memory_space<vmem>>, %arg7: memref<1x128xi32, #tpu.memory_space<vmem>>, %arg8: memref<12544x128xf32, #tpu.memory_space<vmem_shared>>, %arg9: memref<!tpu.dma_semaphore, #tpu.memory_space<semaphore_mem>>, %arg10: memref<!tpu.dma_semaphore, #tpu.memory_space<semaphore_mem>>) attributes {dimension_semantics = [#tpu.dimension_semantics<core_parallel>, #tpu.dimension_semantics<subcore_parallel>], iteration_bounds = array<i64: 2, 16>, scalar_prefetch = 0 : i64, scratch_operands = 5 : i64, tpu.core_type = #tpu.core_type<sc_vector_subcore>, window_params = [{transform_indices = #map}, {transform_indices = #map}, {transform_indices = #map}, {transform_indices = #map}]} {
    %mul3A = arith.constant 2 : i32
    %mul3A_0 = arith.muli %mul3A, %arg0 : i32
    %add3A = arith.constant 0 : i32
    %add3A_1 = arith.addi %mul3A_0, %add3A : i32
    %mul3A_2 = arith.constant 12544 : i32
    %mul3A_3 = arith.muli %add3A_1, %mul3A_2 : i32
    %mul3A_4 = arith.constant 784 : i32
    %mul3A_5 = arith.muli %arg1, %mul3A_4 : i32
    "tpu.region"() ({
      %run_scoped3A = tpu.sem_alloc : memref<!tpu.dma_semaphore, #tpu.memory_space<semaphore_mem>>
      %dma_start3A = arith.constant 0 : i32
      %dma_start3A_42 = tpu.memref_slice %arg8[%mul3A_5, %dma_start3A] : memref<12544x128xf32, #tpu.memory_space<vmem_shared>> -> memref<784x128xf32, #tpu.memory_space<vmem_shared>>
      tpu.enqueue_dma source(%arg4 : memref<784x128xf32, #tpu.memory_space<hbm>>) target(%dma_start3A_42 : memref<784x128xf32, #tpu.memory_space<vmem_shared>>) target_semaphore(%run_scoped3A : memref<!tpu.dma_semaphore, #tpu.memory_space<semaphore_mem>>)
      %dma_wait3A = arith.constant 0 : i32
      %dma_wait3A_43 = tpu.memref_slice %arg8[%mul3A_5, %dma_wait3A] : memref<12544x128xf32, #tpu.memory_space<vmem_shared>> -> memref<784x128xf32, #tpu.memory_space<vmem_shared>>
      tpu.wait_dma2 semaphore(%run_scoped3A : memref<!tpu.dma_semaphore, #tpu.memory_space<semaphore_mem>>) src(%arg4 : memref<784x128xf32, #tpu.memory_space<hbm>>) dst(%dma_wait3A_43 : memref<784x128xf32, #tpu.memory_space<vmem_shared>>)
      tpu.yield
    }) : () -> ()
    %barrier3A = arith.constant 0 : index
    tpu.barrier barrier_id(%barrier3A)
    %scan3A = arith.constant 0 : i32
    %scan3A_6 = arith.constant 0 : i32
    %scan3A_7 = arith.constant 391 : i32
    %scan3A_8 = arith.addi %scan3A_6, %scan3A_7 : i32
    %scan3A_9 = arith.constant 1 : i32
    %scan3A_10 = scf.for %scan3A_42 = %scan3A_6 to %scan3A_8 step %scan3A_9 iter_args(%scan3A_43 = %scan3A) -> (i32)  : i32 {
      %mul3A_44 = arith.constant 16 : i32
      %mul3A_45 = arith.muli %mul3A_44, %scan3A_42 : i32
      %add3A_46 = arith.addi %arg1, %mul3A_45 : i32
      %lt3A = arith.constant 6250 : i32
      %lt3A_47 = arith.cmpi slt, %add3A_46, %lt3A : i32
      %convert_element_type3A = arith.extui %lt3A_47 : i1 to i32
      %cond3A = arith.constant 0 : i32
      %cond3A_48 = arith.cmpi ne, %convert_element_type3A, %cond3A : i32
      scf.if %cond3A_48 {
        %mul3A_50 = arith.constant 128 : i32
        %mul3A_51 = arith.muli %add3A_46, %mul3A_50 : i32
        %mul3A_52 = arith.constant 6250 : i32
        %mul3A_53 = arith.muli %add3A_1, %mul3A_52 : i32
        %add3A_54 = arith.addi %mul3A_53, %add3A_46 : i32
        %dma_start3A = arith.constant 0 : i32
        %dma_start3A_55 = tpu.memref_slice %arg3[%add3A_54, %dma_start3A] : memref<25000x128xi32, #tpu.memory_space<hbm>> -> memref<1x128xi32, #tpu.memory_space<hbm>>
        %dma_start3A_56 = arith.constant 0 : i32
        %dma_start3A_57 = tpu.memref_slice %arg3[%add3A_54, %dma_start3A_56] : memref<25000x128xi32, #tpu.memory_space<hbm>> -> memref<1x128xi32, #tpu.memory_space<hbm>>
        tpu.enqueue_dma source(%dma_start3A_57 : memref<1x128xi32, #tpu.memory_space<hbm>>) target(%arg7 : memref<1x128xi32, #tpu.memory_space<vmem>>) target_semaphore(%arg10 : memref<!tpu.dma_semaphore, #tpu.memory_space<semaphore_mem>>)
        %dma_start3A_58 = arith.constant 0 : i32
        %dma_start3A_59 = tpu.memref_slice %arg2[%mul3A_51, %dma_start3A_58] : memref<800000x128xf32, #tpu.memory_space<hbm>> -> memref<128x128xf32, #tpu.memory_space<hbm>>
        %dma_start3A_60 = arith.constant 0 : i32
        %dma_start3A_61 = tpu.memref_slice %arg2[%mul3A_51, %dma_start3A_60] : memref<800000x128xf32, #tpu.memory_space<hbm>> -> memref<128x128xf32, #tpu.memory_space<hbm>>
        tpu.enqueue_dma source(%dma_start3A_61 : memref<128x128xf32, #tpu.memory_space<hbm>>) target(%arg6 : memref<128x128xf32, #tpu.memory_space<vmem>>) target_semaphore(%arg9 : memref<!tpu.dma_semaphore, #tpu.memory_space<semaphore_mem>>)
        %dma_wait3A = arith.constant 0 : i32
        %dma_wait3A_62 = tpu.memref_slice %arg3[%add3A_54, %dma_wait3A] : memref<25000x128xi32, #tpu.memory_space<hbm>> -> memref<1x128xi32, #tpu.memory_space<hbm>>
        %dma_wait3A_63 = arith.constant 0 : i32
        %dma_wait3A_64 = tpu.memref_slice %arg3[%add3A_54, %dma_wait3A_63] : memref<25000x128xi32, #tpu.memory_space<hbm>> -> memref<1x128xi32, #tpu.memory_space<hbm>>
        tpu.wait_dma2 semaphore(%arg10 : memref<!tpu.dma_semaphore, #tpu.memory_space<semaphore_mem>>) src(%dma_wait3A_64 : memref<1x128xi32, #tpu.memory_space<hbm>>) dst(%arg7 : memref<1x128xi32, #tpu.memory_space<vmem>>)
        %dma_wait3A_65 = arith.constant 0 : i32
        %dma_wait3A_66 = tpu.memref_slice %arg2[%mul3A_51, %dma_wait3A_65] : memref<800000x128xf32, #tpu.memory_space<hbm>> -> memref<128x128xf32, #tpu.memory_space<hbm>>
        %dma_wait3A_67 = arith.constant 0 : i32
        %dma_wait3A_68 = tpu.memref_slice %arg2[%mul3A_51, %dma_wait3A_67] : memref<800000x128xf32, #tpu.memory_space<hbm>> -> memref<128x128xf32, #tpu.memory_space<hbm>>
        tpu.wait_dma2 semaphore(%arg9 : memref<!tpu.dma_semaphore, #tpu.memory_space<semaphore_mem>>) src(%dma_wait3A_68 : memref<128x128xf32, #tpu.memory_space<hbm>>) dst(%arg6 : memref<128x128xf32, #tpu.memory_space<vmem>>)
        %run_scoped3A = arith.constant 0 : i32
        "tpu.region"() ({
          %run_scoped3A_69 = tpu.sem_alloc : memref<!tpu.dma_semaphore, #tpu.memory_space<semaphore_mem>>
          %dma_start3A_70 = arith.constant 0 : i32
          %dma_start3A_71 = tpu.memref_slice %arg7[%run_scoped3A, %dma_start3A_70] : memref<1x128xi32, #tpu.memory_space<vmem>> -> memref<1x128xi32, #tpu.memory_space<vmem>>
          %dma_start3A_72 = tpu.memref_squeeze %dma_start3A_71 : memref<1x128xi32, #tpu.memory_space<vmem>> -> memref<128xi32, #tpu.memory_space<vmem>>
          %dma_start3A_73 = arith.constant 0 : i32
          %dma_start3A_74 = arith.constant 0 : i32
          %dma_start3A_75 = tpu.memref_slice %arg8[%dma_start3A_73, %dma_start3A_74] : memref<12544x128xf32, #tpu.memory_space<vmem_shared>> -> memref<12544x128xf32, #tpu.memory_space<vmem_shared>>
          %dma_start3A_76 = arith.constant -1 : i32
          tpu.enqueue_indirect_dma source(%arg6 : memref<128x128xf32, #tpu.memory_space<vmem>>) target(%dma_start3A_75 : memref<12544x128xf32, #tpu.memory_space<vmem_shared>>) offsets(%dma_start3A_72 : memref<128xi32, #tpu.memory_space<vmem>>) offset_filter(%dma_start3A_76) semaphore(%run_scoped3A_69 : memref<!tpu.dma_semaphore, #tpu.memory_space<semaphore_mem>>) {add = true}
          %dma_wait3A_77 = arith.constant 0 : i32
          %dma_wait3A_78 = tpu.memref_slice %arg7[%run_scoped3A, %dma_wait3A_77] : memref<1x128xi32, #tpu.memory_space<vmem>> -> memref<1x128xi32, #tpu.memory_space<vmem>>
          %dma_wait3A_79 = tpu.memref_squeeze %dma_wait3A_78 : memref<1x128xi32, #tpu.memory_space<vmem>> -> memref<128xi32, #tpu.memory_space<vmem>>
          %dma_wait3A_80 = arith.constant 0 : i32
          %dma_wait3A_81 = arith.constant 0 : i32
          %dma_wait3A_82 = tpu.memref_slice %arg8[%dma_wait3A_80, %dma_wait3A_81] : memref<12544x128xf32, #tpu.memory_space<vmem_shared>> -> memref<12544x128xf32, #tpu.memory_space<vmem_shared>>
          tpu.wait_indirect_dma semaphore(%run_scoped3A_69 : memref<!tpu.dma_semaphore, #tpu.memory_space<semaphore_mem>>) src(%arg6 : memref<128x128xf32, #tpu.memory_space<vmem>>) dst(%dma_wait3A_82 : memref<12544x128xf32, #tpu.memory_space<vmem_shared>>)
          tpu.yield
        }) : () -> ()
      } else {
      }
      %scan3A_49 = arith.constant 0 : i32
      scf.yield %scan3A_49 : i32
    }
    %scan3A_11 = arith.constant 391 : i32
    %barrier3A_12 = arith.constant 0 : index
    tpu.barrier barrier_id(%barrier3A_12)
    %mul3A_13 = arith.constant 784 : i32
    %mul3A_14 = arith.muli %arg1, %mul3A_13 : i32
    %mul3A_15 = arith.constant 784 : i32
    %mul3A_16 = arith.muli %arg1, %mul3A_15 : i32
    %add3A_17 = arith.addi %mul3A_3, %mul3A_16 : i32
    "tpu.region"() ({
      %run_scoped3A = tpu.sem_alloc : memref<!tpu.dma_semaphore, #tpu.memory_space<semaphore_mem>>
      %dma_start3A = arith.constant 0 : i32
      %dma_start3A_42 = tpu.memref_slice %arg5[%add3A_17, %dma_start3A] : memref<50176x128xf32, #tpu.memory_space<hbm>> -> memref<784x128xf32, #tpu.memory_space<hbm>>
      %dma_start3A_43 = arith.constant 0 : i32
      %dma_start3A_44 = tpu.memref_slice %arg8[%mul3A_14, %dma_start3A_43] : memref<12544x128xf32, #tpu.memory_space<vmem_shared>> -> memref<784x128xf32, #tpu.memory_space<vmem_shared>>
      tpu.enqueue_dma source(%dma_start3A_44 : memref<784x128xf32, #tpu.memory_space<vmem_shared>>) target(%dma_start3A_42 : memref<784x128xf32, #tpu.memory_space<hbm>>) target_semaphore(%run_scoped3A : memref<!tpu.dma_semaphore, #tpu.memory_space<semaphore_mem>>)
      %dma_wait3A = arith.constant 0 : i32
      %dma_wait3A_45 = tpu.memref_slice %arg5[%add3A_17, %dma_wait3A] : memref<50176x128xf32, #tpu.memory_space<hbm>> -> memref<784x128xf32, #tpu.memory_space<hbm>>
      %dma_wait3A_46 = arith.constant 0 : i32
      %dma_wait3A_47 = tpu.memref_slice %arg8[%mul3A_14, %dma_wait3A_46] : memref<12544x128xf32, #tpu.memory_space<vmem_shared>> -> memref<784x128xf32, #tpu.memory_space<vmem_shared>>
      tpu.wait_dma2 semaphore(%run_scoped3A : memref<!tpu.dma_semaphore, #tpu.memory_space<semaphore_mem>>) src(%dma_wait3A_47 : memref<784x128xf32, #tpu.memory_space<vmem_shared>>) dst(%dma_wait3A_45 : memref<784x128xf32, #tpu.memory_space<hbm>>)
      tpu.yield
    }) : () -> ()
    %barrier3A_18 = arith.constant 0 : index
    tpu.barrier barrier_id(%barrier3A_18)
    %mul3A_19 = arith.constant 2 : i32
    %mul3A_20 = arith.muli %mul3A_19, %arg0 : i32
    %add3A_21 = arith.constant 1 : i32
    %add3A_22 = arith.addi %mul3A_20, %add3A_21 : i32
    %mul3A_23 = arith.constant 12544 : i32
    %mul3A_24 = arith.muli %add3A_22, %mul3A_23 : i32
    %mul3A_25 = arith.constant 784 : i32
    %mul3A_26 = arith.muli %arg1, %mul3A_25 : i32
    "tpu.region"() ({
      %run_scoped3A = tpu.sem_alloc : memref<!tpu.dma_semaphore, #tpu.memory_space<semaphore_mem>>
      %dma_start3A = arith.constant 0 : i32
      %dma_start3A_42 = tpu.memref_slice %arg8[%mul3A_26, %dma_start3A] : memref<12544x128xf32, #tpu.memory_space<vmem_shared>> -> memref<784x128xf32, #tpu.memory_space<vmem_shared>>
      tpu.enqueue_dma source(%arg4 : memref<784x128xf32, #tpu.memory_space<hbm>>) target(%dma_start3A_42 : memref<784x128xf32, #tpu.memory_space<vmem_shared>>) target_semaphore(%run_scoped3A : memref<!tpu.dma_semaphore, #tpu.memory_space<semaphore_mem>>)
      %dma_wait3A = arith.constant 0 : i32
      %dma_wait3A_43 = tpu.memref_slice %arg8[%mul3A_26, %dma_wait3A] : memref<12544x128xf32, #tpu.memory_space<vmem_shared>> -> memref<784x128xf32, #tpu.memory_space<vmem_shared>>
      tpu.wait_dma2 semaphore(%run_scoped3A : memref<!tpu.dma_semaphore, #tpu.memory_space<semaphore_mem>>) src(%arg4 : memref<784x128xf32, #tpu.memory_space<hbm>>) dst(%dma_wait3A_43 : memref<784x128xf32, #tpu.memory_space<vmem_shared>>)
      tpu.yield
    }) : () -> ()
    %barrier3A_27 = arith.constant 0 : index
    tpu.barrier barrier_id(%barrier3A_27)
    %scan3A_28 = arith.constant 0 : i32
    %scan3A_29 = arith.constant 0 : i32
    %scan3A_30 = arith.constant 391 : i32
    %scan3A_31 = arith.addi %scan3A_29, %scan3A_30 : i32
    %scan3A_32 = arith.constant 1 : i32
    %scan3A_33 = scf.for %scan3A_42 = %scan3A_29 to %scan3A_31 step %scan3A_32 iter_args(%scan3A_43 = %scan3A_28) -> (i32)  : i32 {
      %mul3A_44 = arith.constant 16 : i32
      %mul3A_45 = arith.muli %mul3A_44, %scan3A_42 : i32
      %add3A_46 = arith.addi %arg1, %mul3A_45 : i32
      %lt3A = arith.constant 6250 : i32
      %lt3A_47 = arith.cmpi slt, %add3A_46, %lt3A : i32
      %convert_element_type3A = arith.extui %lt3A_47 : i1 to i32
      %cond3A = arith.constant 0 : i32
      %cond3A_48 = arith.cmpi ne, %convert_element_type3A, %cond3A : i32
      scf.if %cond3A_48 {
        %mul3A_50 = arith.constant 128 : i32
        %mul3A_51 = arith.muli %add3A_46, %mul3A_50 : i32
        %mul3A_52 = arith.constant 6250 : i32
        %mul3A_53 = arith.muli %add3A_22, %mul3A_52 : i32
        %add3A_54 = arith.addi %mul3A_53, %add3A_46 : i32
        %dma_start3A = arith.constant 0 : i32
        %dma_start3A_55 = tpu.memref_slice %arg3[%add3A_54, %dma_start3A] : memref<25000x128xi32, #tpu.memory_space<hbm>> -> memref<1x128xi32, #tpu.memory_space<hbm>>
        %dma_start3A_56 = arith.constant 0 : i32
        %dma_start3A_57 = tpu.memref_slice %arg3[%add3A_54, %dma_start3A_56] : memref<25000x128xi32, #tpu.memory_space<hbm>> -> memref<1x128xi32, #tpu.memory_space<hbm>>
        tpu.enqueue_dma source(%dma_start3A_57 : memref<1x128xi32, #tpu.memory_space<hbm>>) target(%arg7 : memref<1x128xi32, #tpu.memory_space<vmem>>) target_semaphore(%arg10 : memref<!tpu.dma_semaphore, #tpu.memory_space<semaphore_mem>>)
        %dma_start3A_58 = arith.constant 0 : i32
        %dma_start3A_59 = tpu.memref_slice %arg2[%mul3A_51, %dma_start3A_58] : memref<800000x128xf32, #tpu.memory_space<hbm>> -> memref<128x128xf32, #tpu.memory_space<hbm>>
        %dma_start3A_60 = arith.constant 0 : i32
        %dma_start3A_61 = tpu.memref_slice %arg2[%mul3A_51, %dma_start3A_60] : memref<800000x128xf32, #tpu.memory_space<hbm>> -> memref<128x128xf32, #tpu.memory_space<hbm>>
        tpu.enqueue_dma source(%dma_start3A_61 : memref<128x128xf32, #tpu.memory_space<hbm>>) target(%arg6 : memref<128x128xf32, #tpu.memory_space<vmem>>) target_semaphore(%arg9 : memref<!tpu.dma_semaphore, #tpu.memory_space<semaphore_mem>>)
        %dma_wait3A = arith.constant 0 : i32
        %dma_wait3A_62 = tpu.memref_slice %arg3[%add3A_54, %dma_wait3A] : memref<25000x128xi32, #tpu.memory_space<hbm>> -> memref<1x128xi32, #tpu.memory_space<hbm>>
        %dma_wait3A_63 = arith.constant 0 : i32
        %dma_wait3A_64 = tpu.memref_slice %arg3[%add3A_54, %dma_wait3A_63] : memref<25000x128xi32, #tpu.memory_space<hbm>> -> memref<1x128xi32, #tpu.memory_space<hbm>>
        tpu.wait_dma2 semaphore(%arg10 : memref<!tpu.dma_semaphore, #tpu.memory_space<semaphore_mem>>) src(%dma_wait3A_64 : memref<1x128xi32, #tpu.memory_space<hbm>>) dst(%arg7 : memref<1x128xi32, #tpu.memory_space<vmem>>)
        %dma_wait3A_65 = arith.constant 0 : i32
        %dma_wait3A_66 = tpu.memref_slice %arg2[%mul3A_51, %dma_wait3A_65] : memref<800000x128xf32, #tpu.memory_space<hbm>> -> memref<128x128xf32, #tpu.memory_space<hbm>>
        %dma_wait3A_67 = arith.constant 0 : i32
        %dma_wait3A_68 = tpu.memref_slice %arg2[%mul3A_51, %dma_wait3A_67] : memref<800000x128xf32, #tpu.memory_space<hbm>> -> memref<128x128xf32, #tpu.memory_space<hbm>>
        tpu.wait_dma2 semaphore(%arg9 : memref<!tpu.dma_semaphore, #tpu.memory_space<semaphore_mem>>) src(%dma_wait3A_68 : memref<128x128xf32, #tpu.memory_space<hbm>>) dst(%arg6 : memref<128x128xf32, #tpu.memory_space<vmem>>)
        %run_scoped3A = arith.constant 0 : i32
        "tpu.region"() ({
          %run_scoped3A_69 = tpu.sem_alloc : memref<!tpu.dma_semaphore, #tpu.memory_space<semaphore_mem>>
          %dma_start3A_70 = arith.constant 0 : i32
          %dma_start3A_71 = tpu.memref_slice %arg7[%run_scoped3A, %dma_start3A_70] : memref<1x128xi32, #tpu.memory_space<vmem>> -> memref<1x128xi32, #tpu.memory_space<vmem>>
          %dma_start3A_72 = tpu.memref_squeeze %dma_start3A_71 : memref<1x128xi32, #tpu.memory_space<vmem>> -> memref<128xi32, #tpu.memory_space<vmem>>
          %dma_start3A_73 = arith.constant 0 : i32
          %dma_start3A_74 = arith.constant 0 : i32
          %dma_start3A_75 = tpu.memref_slice %arg8[%dma_start3A_73, %dma_start3A_74] : memref<12544x128xf32, #tpu.memory_space<vmem_shared>> -> memref<12544x128xf32, #tpu.memory_space<vmem_shared>>
          %dma_start3A_76 = arith.constant -1 : i32
          tpu.enqueue_indirect_dma source(%arg6 : memref<128x128xf32, #tpu.memory_space<vmem>>) target(%dma_start3A_75 : memref<12544x128xf32, #tpu.memory_space<vmem_shared>>) offsets(%dma_start3A_72 : memref<128xi32, #tpu.memory_space<vmem>>) offset_filter(%dma_start3A_76) semaphore(%run_scoped3A_69 : memref<!tpu.dma_semaphore, #tpu.memory_space<semaphore_mem>>) {add = true}
          %dma_wait3A_77 = arith.constant 0 : i32
          %dma_wait3A_78 = tpu.memref_slice %arg7[%run_scoped3A, %dma_wait3A_77] : memref<1x128xi32, #tpu.memory_space<vmem>> -> memref<1x128xi32, #tpu.memory_space<vmem>>
          %dma_wait3A_79 = tpu.memref_squeeze %dma_wait3A_78 : memref<1x128xi32, #tpu.memory_space<vmem>> -> memref<128xi32, #tpu.memory_space<vmem>>
          %dma_wait3A_80 = arith.constant 0 : i32
          %dma_wait3A_81 = arith.constant 0 : i32
          %dma_wait3A_82 = tpu.memref_slice %arg8[%dma_wait3A_80, %dma_wait3A_81] : memref<12544x128xf32, #tpu.memory_space<vmem_shared>> -> memref<12544x128xf32, #tpu.memory_space<vmem_shared>>
          tpu.wait_indirect_dma semaphore(%run_scoped3A_69 : memref<!tpu.dma_semaphore, #tpu.memory_space<semaphore_mem>>) src(%arg6 : memref<128x128xf32, #tpu.memory_space<vmem>>) dst(%dma_wait3A_82 : memref<12544x128xf32, #tpu.memory_space<vmem_shared>>)
          tpu.yield
        }) : () -> ()
      } else {
      }
      %scan3A_49 = arith.constant 0 : i32
      scf.yield %scan3A_49 : i32
    }
    %scan3A_34 = arith.constant 391 : i32
    %barrier3A_35 = arith.constant 0 : index
    tpu.barrier barrier_id(%barrier3A_35)
    %mul3A_36 = arith.constant 784 : i32
    %mul3A_37 = arith.muli %arg1, %mul3A_36 : i32
    %mul3A_38 = arith.constant 784 : i32
    %mul3A_39 = arith.muli %arg1, %mul3A_38 : i32
    %add3A_40 = arith.addi %mul3A_24, %mul3A_39 : i32
    "tpu.region"() ({
      %run_scoped3A = tpu.sem_alloc : memref<!tpu.dma_semaphore, #tpu.memory_space<semaphore_mem>>
      %dma_start3A = arith.constant 0 : i32
      %dma_start3A_42 = tpu.memref_slice %arg5[%add3A_40, %dma_start3A] : memref<50176x128xf32, #tpu.memory_space<hbm>> -> memref<784x128xf32, #tpu.memory_space<hbm>>
      %dma_start3A_43 = arith.constant 0 : i32
      %dma_start3A_44 = tpu.memref_slice %arg8[%mul3A_37, %dma_start3A_43] : memref<12544x128xf32, #tpu.memory_space<vmem_shared>> -> memref<784x128xf32, #tpu.memory_space<vmem_shared>>
      tpu.enqueue_dma source(%dma_start3A_44 : memref<784x128xf32, #tpu.memory_space<vmem_shared>>) target(%dma_start3A_42 : memref<784x128xf32, #tpu.memory_space<hbm>>) target_semaphore(%run_scoped3A : memref<!tpu.dma_semaphore, #tpu.memory_space<semaphore_mem>>)
      %dma_wait3A = arith.constant 0 : i32
      %dma_wait3A_45 = tpu.memref_slice %arg5[%add3A_40, %dma_wait3A] : memref<50176x128xf32, #tpu.memory_space<hbm>> -> memref<784x128xf32, #tpu.memory_space<hbm>>
      %dma_wait3A_46 = arith.constant 0 : i32
      %dma_wait3A_47 = tpu.memref_slice %arg8[%mul3A_37, %dma_wait3A_46] : memref<12544x128xf32, #tpu.memory_space<vmem_shared>> -> memref<784x128xf32, #tpu.memory_space<vmem_shared>>
      tpu.wait_dma2 semaphore(%run_scoped3A : memref<!tpu.dma_semaphore, #tpu.memory_space<semaphore_mem>>) src(%dma_wait3A_47 : memref<784x128xf32, #tpu.memory_space<vmem_shared>>) dst(%dma_wait3A_45 : memref<784x128xf32, #tpu.memory_space<hbm>>)
      tpu.yield
    }) : () -> ()
    %barrier3A_41 = arith.constant 0 : index
    tpu.barrier barrier_id(%barrier3A_41)
    return
  }
}

#map = affine_map<(d0, d1) -> (0, 0)>
#map1 = affine_map<(d0, d1) -> (0)>
module attributes {stable_mosaic.version = 14 : i64} {
  func.func @_gather_body(%arg0: i32, %arg1: i32, %arg2: memref<50000x128xf32, #tpu.memory_space<hbm>>, %arg3: memref<50000x128xf32, #tpu.memory_space<hbm>>, %arg4: memref<50000x128xf32, #tpu.memory_space<hbm>>, %arg5: memref<800000xi32, #tpu.memory_space<hbm>>, %arg6: memref<800000xi32, #tpu.memory_space<hbm>>, %arg7: memref<800000x128xf32, #tpu.memory_space<hbm>>, %arg8: memref<800000x128xf32, #tpu.memory_space<hbm>>, %arg9: memref<800000x128xf32, #tpu.memory_space<hbm>>, %arg10: memref<128xi32, #tpu.memory_space<vmem>>, %arg11: memref<128xi32, #tpu.memory_space<vmem>>, %arg12: memref<128x128xf32, #tpu.memory_space<vmem>>, %arg13: memref<128x128xf32, #tpu.memory_space<vmem>>, %arg14: memref<128x128xf32, #tpu.memory_space<vmem>>, %arg15: memref<!tpu.dma_semaphore, #tpu.memory_space<semaphore_mem>>, %arg16: memref<!tpu.dma_semaphore, #tpu.memory_space<semaphore_mem>>, %arg17: memref<!tpu.dma_semaphore, #tpu.memory_space<semaphore_mem>>) attributes {dimension_semantics = [#tpu.dimension_semantics<core_parallel>, #tpu.dimension_semantics<subcore_parallel>], iteration_bounds = array<i64: 2, 16>, scalar_prefetch = 0 : i64, scratch_operands = 8 : i64, tpu.core_type = #tpu.core_type<sc_vector_subcore>, window_params = [{transform_indices = #map}, {transform_indices = #map}, {transform_indices = #map}, {transform_indices = #map1}, {transform_indices = #map1}, {transform_indices = #map}, {transform_indices = #map}, {transform_indices = #map}]} {
    %mul3A = arith.constant 2 : i32
    %mul3A_0 = arith.muli %arg1, %mul3A : i32
    %add3A = arith.addi %mul3A_0, %arg0 : i32
    %scan3A = arith.constant 0 : i32
    %scan3A_1 = arith.constant 0 : i32
    %scan3A_2 = arith.constant 196 : i32
    %scan3A_3 = arith.addi %scan3A_1, %scan3A_2 : i32
    %scan3A_4 = arith.constant 1 : i32
    %scan3A_5 = scf.for %scan3A_7 = %scan3A_1 to %scan3A_3 step %scan3A_4 iter_args(%scan3A_8 = %scan3A) -> (i32)  : i32 {
      %mul3A_9 = arith.constant 32 : i32
      %mul3A_10 = arith.muli %mul3A_9, %scan3A_7 : i32
      %add3A_11 = arith.addi %add3A, %mul3A_10 : i32
      %lt3A = arith.constant 6250 : i32
      %lt3A_12 = arith.cmpi slt, %add3A_11, %lt3A : i32
      %convert_element_type3A = arith.extui %lt3A_12 : i1 to i32
      %cond3A = arith.constant 0 : i32
      %cond3A_13 = arith.cmpi ne, %convert_element_type3A, %cond3A : i32
      scf.if %cond3A_13 {
        %mul3A_15 = arith.constant 128 : i32
        %mul3A_16 = arith.muli %add3A_11, %mul3A_15 : i32
        "tpu.region"() ({
          %run_scoped3A = tpu.sem_alloc : memref<!tpu.dma_semaphore, #tpu.memory_space<semaphore_mem>>
          %dma_start3A_33 = tpu.memref_slice %arg5[%mul3A_16] : memref<800000xi32, #tpu.memory_space<hbm>> -> memref<128xi32, #tpu.memory_space<hbm>>
          %dma_start3A_34 = tpu.memref_slice %arg5[%mul3A_16] : memref<800000xi32, #tpu.memory_space<hbm>> -> memref<128xi32, #tpu.memory_space<hbm>>
          tpu.enqueue_dma source(%dma_start3A_34 : memref<128xi32, #tpu.memory_space<hbm>>) target(%arg10 : memref<128xi32, #tpu.memory_space<vmem>>) target_semaphore(%run_scoped3A : memref<!tpu.dma_semaphore, #tpu.memory_space<semaphore_mem>>)
          %dma_wait3A_35 = tpu.memref_slice %arg5[%mul3A_16] : memref<800000xi32, #tpu.memory_space<hbm>> -> memref<128xi32, #tpu.memory_space<hbm>>
          %dma_wait3A_36 = tpu.memref_slice %arg5[%mul3A_16] : memref<800000xi32, #tpu.memory_space<hbm>> -> memref<128xi32, #tpu.memory_space<hbm>>
          tpu.wait_dma2 semaphore(%run_scoped3A : memref<!tpu.dma_semaphore, #tpu.memory_space<semaphore_mem>>) src(%dma_wait3A_36 : memref<128xi32, #tpu.memory_space<hbm>>) dst(%arg10 : memref<128xi32, #tpu.memory_space<vmem>>)
          tpu.yield
        }) : () -> ()
        "tpu.region"() ({
          %run_scoped3A = tpu.sem_alloc : memref<!tpu.dma_semaphore, #tpu.memory_space<semaphore_mem>>
          %dma_start3A_33 = tpu.memref_slice %arg6[%mul3A_16] : memref<800000xi32, #tpu.memory_space<hbm>> -> memref<128xi32, #tpu.memory_space<hbm>>
          %dma_start3A_34 = tpu.memref_slice %arg6[%mul3A_16] : memref<800000xi32, #tpu.memory_space<hbm>> -> memref<128xi32, #tpu.memory_space<hbm>>
          tpu.enqueue_dma source(%dma_start3A_34 : memref<128xi32, #tpu.memory_space<hbm>>) target(%arg11 : memref<128xi32, #tpu.memory_space<vmem>>) target_semaphore(%run_scoped3A : memref<!tpu.dma_semaphore, #tpu.memory_space<semaphore_mem>>)
          %dma_wait3A_35 = tpu.memref_slice %arg6[%mul3A_16] : memref<800000xi32, #tpu.memory_space<hbm>> -> memref<128xi32, #tpu.memory_space<hbm>>
          %dma_wait3A_36 = tpu.memref_slice %arg6[%mul3A_16] : memref<800000xi32, #tpu.memory_space<hbm>> -> memref<128xi32, #tpu.memory_space<hbm>>
          tpu.wait_dma2 semaphore(%run_scoped3A : memref<!tpu.dma_semaphore, #tpu.memory_space<semaphore_mem>>) src(%dma_wait3A_36 : memref<128xi32, #tpu.memory_space<hbm>>) dst(%arg11 : memref<128xi32, #tpu.memory_space<vmem>>)
          tpu.yield
        }) : () -> ()
        %dma_start3A = arith.constant 0 : i32
        %dma_start3A_17 = arith.constant 0 : i32
        %dma_start3A_18 = tpu.memref_slice %arg2[%dma_start3A, %dma_start3A_17] : memref<50000x128xf32, #tpu.memory_space<hbm>> -> memref<50000x128xf32, #tpu.memory_space<hbm>>
        tpu.enqueue_indirect_dma source(%dma_start3A_18 : memref<50000x128xf32, #tpu.memory_space<hbm>>) target(%arg12 : memref<128x128xf32, #tpu.memory_space<vmem>>) offsets(%arg10 : memref<128xi32, #tpu.memory_space<vmem>>) semaphore(%arg15 : memref<!tpu.dma_semaphore, #tpu.memory_space<semaphore_mem>>)
        %dma_start3A_19 = arith.constant 0 : i32
        %dma_start3A_20 = arith.constant 0 : i32
        %dma_start3A_21 = tpu.memref_slice %arg3[%dma_start3A_19, %dma_start3A_20] : memref<50000x128xf32, #tpu.memory_space<hbm>> -> memref<50000x128xf32, #tpu.memory_space<hbm>>
        tpu.enqueue_indirect_dma source(%dma_start3A_21 : memref<50000x128xf32, #tpu.memory_space<hbm>>) target(%arg13 : memref<128x128xf32, #tpu.memory_space<vmem>>) offsets(%arg10 : memref<128xi32, #tpu.memory_space<vmem>>) semaphore(%arg16 : memref<!tpu.dma_semaphore, #tpu.memory_space<semaphore_mem>>)
        %dma_start3A_22 = arith.constant 0 : i32
        %dma_start3A_23 = arith.constant 0 : i32
        %dma_start3A_24 = tpu.memref_slice %arg4[%dma_start3A_22, %dma_start3A_23] : memref<50000x128xf32, #tpu.memory_space<hbm>> -> memref<50000x128xf32, #tpu.memory_space<hbm>>
        tpu.enqueue_indirect_dma source(%dma_start3A_24 : memref<50000x128xf32, #tpu.memory_space<hbm>>) target(%arg14 : memref<128x128xf32, #tpu.memory_space<vmem>>) offsets(%arg11 : memref<128xi32, #tpu.memory_space<vmem>>) semaphore(%arg17 : memref<!tpu.dma_semaphore, #tpu.memory_space<semaphore_mem>>)
        %dma_wait3A = arith.constant 0 : i32
        %dma_wait3A_25 = arith.constant 0 : i32
        %dma_wait3A_26 = tpu.memref_slice %arg2[%dma_wait3A, %dma_wait3A_25] : memref<50000x128xf32, #tpu.memory_space<hbm>> -> memref<50000x128xf32, #tpu.memory_space<hbm>>
        tpu.wait_indirect_dma semaphore(%arg15 : memref<!tpu.dma_semaphore, #tpu.memory_space<semaphore_mem>>) src(%dma_wait3A_26 : memref<50000x128xf32, #tpu.memory_space<hbm>>) dst(%arg12 : memref<128x128xf32, #tpu.memory_space<vmem>>)
        %dma_wait3A_27 = arith.constant 0 : i32
        %dma_wait3A_28 = arith.constant 0 : i32
        %dma_wait3A_29 = tpu.memref_slice %arg3[%dma_wait3A_27, %dma_wait3A_28] : memref<50000x128xf32, #tpu.memory_space<hbm>> -> memref<50000x128xf32, #tpu.memory_space<hbm>>
        tpu.wait_indirect_dma semaphore(%arg16 : memref<!tpu.dma_semaphore, #tpu.memory_space<semaphore_mem>>) src(%dma_wait3A_29 : memref<50000x128xf32, #tpu.memory_space<hbm>>) dst(%arg13 : memref<128x128xf32, #tpu.memory_space<vmem>>)
        %dma_wait3A_30 = arith.constant 0 : i32
        %dma_wait3A_31 = arith.constant 0 : i32
        %dma_wait3A_32 = tpu.memref_slice %arg4[%dma_wait3A_30, %dma_wait3A_31] : memref<50000x128xf32, #tpu.memory_space<hbm>> -> memref<50000x128xf32, #tpu.memory_space<hbm>>
        tpu.wait_indirect_dma semaphore(%arg17 : memref<!tpu.dma_semaphore, #tpu.memory_space<semaphore_mem>>) src(%dma_wait3A_32 : memref<50000x128xf32, #tpu.memory_space<hbm>>) dst(%arg14 : memref<128x128xf32, #tpu.memory_space<vmem>>)
        "tpu.region"() ({
          %run_scoped3A = tpu.sem_alloc : memref<!tpu.dma_semaphore, #tpu.memory_space<semaphore_mem>>
          %dma_start3A_33 = arith.constant 0 : i32
          %dma_start3A_34 = tpu.memref_slice %arg7[%mul3A_16, %dma_start3A_33] : memref<800000x128xf32, #tpu.memory_space<hbm>> -> memref<128x128xf32, #tpu.memory_space<hbm>>
          %dma_start3A_35 = arith.constant 0 : i32
          %dma_start3A_36 = tpu.memref_slice %arg7[%mul3A_16, %dma_start3A_35] : memref<800000x128xf32, #tpu.memory_space<hbm>> -> memref<128x128xf32, #tpu.memory_space<hbm>>
          tpu.enqueue_dma source(%arg12 : memref<128x128xf32, #tpu.memory_space<vmem>>) target(%dma_start3A_36 : memref<128x128xf32, #tpu.memory_space<hbm>>) target_semaphore(%run_scoped3A : memref<!tpu.dma_semaphore, #tpu.memory_space<semaphore_mem>>)
          %dma_wait3A_37 = arith.constant 0 : i32
          %dma_wait3A_38 = tpu.memref_slice %arg7[%mul3A_16, %dma_wait3A_37] : memref<800000x128xf32, #tpu.memory_space<hbm>> -> memref<128x128xf32, #tpu.memory_space<hbm>>
          %dma_wait3A_39 = arith.constant 0 : i32
          %dma_wait3A_40 = tpu.memref_slice %arg7[%mul3A_16, %dma_wait3A_39] : memref<800000x128xf32, #tpu.memory_space<hbm>> -> memref<128x128xf32, #tpu.memory_space<hbm>>
          tpu.wait_dma2 semaphore(%run_scoped3A : memref<!tpu.dma_semaphore, #tpu.memory_space<semaphore_mem>>) src(%arg12 : memref<128x128xf32, #tpu.memory_space<vmem>>) dst(%dma_wait3A_40 : memref<128x128xf32, #tpu.memory_space<hbm>>)
          tpu.yield
        }) : () -> ()
        "tpu.region"() ({
          %run_scoped3A = tpu.sem_alloc : memref<!tpu.dma_semaphore, #tpu.memory_space<semaphore_mem>>
          %dma_start3A_33 = arith.constant 0 : i32
          %dma_start3A_34 = tpu.memref_slice %arg8[%mul3A_16, %dma_start3A_33] : memref<800000x128xf32, #tpu.memory_space<hbm>> -> memref<128x128xf32, #tpu.memory_space<hbm>>
          %dma_start3A_35 = arith.constant 0 : i32
          %dma_start3A_36 = tpu.memref_slice %arg8[%mul3A_16, %dma_start3A_35] : memref<800000x128xf32, #tpu.memory_space<hbm>> -> memref<128x128xf32, #tpu.memory_space<hbm>>
          tpu.enqueue_dma source(%arg13 : memref<128x128xf32, #tpu.memory_space<vmem>>) target(%dma_start3A_36 : memref<128x128xf32, #tpu.memory_space<hbm>>) target_semaphore(%run_scoped3A : memref<!tpu.dma_semaphore, #tpu.memory_space<semaphore_mem>>)
          %dma_wait3A_37 = arith.constant 0 : i32
          %dma_wait3A_38 = tpu.memref_slice %arg8[%mul3A_16, %dma_wait3A_37] : memref<800000x128xf32, #tpu.memory_space<hbm>> -> memref<128x128xf32, #tpu.memory_space<hbm>>
          %dma_wait3A_39 = arith.constant 0 : i32
          %dma_wait3A_40 = tpu.memref_slice %arg8[%mul3A_16, %dma_wait3A_39] : memref<800000x128xf32, #tpu.memory_space<hbm>> -> memref<128x128xf32, #tpu.memory_space<hbm>>
          tpu.wait_dma2 semaphore(%run_scoped3A : memref<!tpu.dma_semaphore, #tpu.memory_space<semaphore_mem>>) src(%arg13 : memref<128x128xf32, #tpu.memory_space<vmem>>) dst(%dma_wait3A_40 : memref<128x128xf32, #tpu.memory_space<hbm>>)
          tpu.yield
        }) : () -> ()
        "tpu.region"() ({
          %run_scoped3A = tpu.sem_alloc : memref<!tpu.dma_semaphore, #tpu.memory_space<semaphore_mem>>
          %dma_start3A_33 = arith.constant 0 : i32
          %dma_start3A_34 = tpu.memref_slice %arg9[%mul3A_16, %dma_start3A_33] : memref<800000x128xf32, #tpu.memory_space<hbm>> -> memref<128x128xf32, #tpu.memory_space<hbm>>
          %dma_start3A_35 = arith.constant 0 : i32
          %dma_start3A_36 = tpu.memref_slice %arg9[%mul3A_16, %dma_start3A_35] : memref<800000x128xf32, #tpu.memory_space<hbm>> -> memref<128x128xf32, #tpu.memory_space<hbm>>
          tpu.enqueue_dma source(%arg14 : memref<128x128xf32, #tpu.memory_space<vmem>>) target(%dma_start3A_36 : memref<128x128xf32, #tpu.memory_space<hbm>>) target_semaphore(%run_scoped3A : memref<!tpu.dma_semaphore, #tpu.memory_space<semaphore_mem>>)
          %dma_wait3A_37 = arith.constant 0 : i32
          %dma_wait3A_38 = tpu.memref_slice %arg9[%mul3A_16, %dma_wait3A_37] : memref<800000x128xf32, #tpu.memory_space<hbm>> -> memref<128x128xf32, #tpu.memory_space<hbm>>
          %dma_wait3A_39 = arith.constant 0 : i32
          %dma_wait3A_40 = tpu.memref_slice %arg9[%mul3A_16, %dma_wait3A_39] : memref<800000x128xf32, #tpu.memory_space<hbm>> -> memref<128x128xf32, #tpu.memory_space<hbm>>
          tpu.wait_dma2 semaphore(%run_scoped3A : memref<!tpu.dma_semaphore, #tpu.memory_space<semaphore_mem>>) src(%arg14 : memref<128x128xf32, #tpu.memory_space<vmem>>) dst(%dma_wait3A_40 : memref<128x128xf32, #tpu.memory_space<hbm>>)
          tpu.yield
        }) : () -> ()
      } else {
      }
      %scan3A_14 = arith.constant 0 : i32
      scf.yield %scan3A_14 : i32
    }
    %scan3A_6 = arith.constant 196 : i32
    return
  }
}

module attributes {stable_mosaic.version = 14 : i64} {
  func.func @_proj_kernel(%arg0: i32, %arg1: memref<2000x100xf32, #tpu.memory_space<vmem>>, %arg2: memref<2000x1xf32, #tpu.memory_space<vmem>>, %arg3: memref<100x128xf32, #tpu.memory_space<vmem>>, %arg4: memref<1x128xf32, #tpu.memory_space<vmem>>, %arg5: memref<100x128xf32, #tpu.memory_space<vmem>>, %arg6: memref<1x128xf32, #tpu.memory_space<vmem>>, %arg7: memref<100x128xf32, #tpu.memory_space<vmem>>, %arg8: memref<1x128xf32, #tpu.memory_space<vmem>>, %arg9: memref<100x100xf32, #tpu.memory_space<vmem>>, %arg10: memref<1x100xf32, #tpu.memory_space<vmem>>, %arg11: memref<2000x128xf32, #tpu.memory_space<vmem>>, %arg12: memref<2000x128xf32, #tpu.memory_space<vmem>>, %arg13: memref<2000x128xf32, #tpu.memory_space<vmem>>, %arg14: memref<2000x100xf32, #tpu.memory_space<vmem>>) attributes {dimension_semantics = [#tpu.dimension_semantics<arbitrary>], iteration_bounds = array<i64: 25>, scalar_prefetch = 0 : i64, scratch_operands = 0 : i64, tpu.core_type = #tpu.core_type<tc>, window_params = [{transform_indices = @transform_0, window_bounds = array<i64: 2000, 100>}, {transform_indices = @transform_1, window_bounds = array<i64: 2000, 1>}, {pipeline_mode = #tpu.pipeline_mode<synchronous>, transform_indices = @transform_2, window_bounds = array<i64: 100, 128>}, {pipeline_mode = #tpu.pipeline_mode<synchronous>, transform_indices = @transform_3, window_bounds = array<i64: 1, 128>}, {pipeline_mode = #tpu.pipeline_mode<synchronous>, transform_indices = @transform_4, window_bounds = array<i64: 100, 128>}, {pipeline_mode = #tpu.pipeline_mode<synchronous>, transform_indices = @transform_5, window_bounds = array<i64: 1, 128>}, {pipeline_mode = #tpu.pipeline_mode<synchronous>, transform_indices = @transform_6, window_bounds = array<i64: 100, 128>}, {pipeline_mode = #tpu.pipeline_mode<synchronous>, transform_indices = @transform_7, window_bounds = array<i64: 1, 128>}, {pipeline_mode = #tpu.pipeline_mode<synchronous>, transform_indices = @transform_8, window_bounds = array<i64: 100, 100>}, {pipeline_mode = #tpu.pipeline_mode<synchronous>, transform_indices = @transform_9, window_bounds = array<i64: 1, 100>}, {transform_indices = @transform_10, window_bounds = array<i64: 2000, 128>}, {transform_indices = @transform_11, window_bounds = array<i64: 2000, 128>}, {transform_indices = @transform_12, window_bounds = array<i64: 2000, 128>}, {transform_indices = @transform_13, window_bounds = array<i64: 2000, 100>}]} {
    %get3A = arith.constant 0 : index
    %get3A_0 = arith.constant 0 : index
    %get3A_1 = vector.load %arg1[%get3A, %get3A_0] : memref<2000x100xf32, #tpu.memory_space<vmem>>, vector<2000x100xf32>
    %get3A_2 = arith.constant 0 : index
    %get3A_3 = arith.constant 0 : index
    %get3A_4 = vector.load %arg3[%get3A_2, %get3A_3] : memref<100x128xf32, #tpu.memory_space<vmem>>, vector<100x128xf32>
    %dot_general3A = arith.constant dense<0.000000e+00> : vector<2000x128xf32>
    %dot_general3A_5 = tpu.matmul %get3A_1, %get3A_4, %dot_general3A {dimension_numbers = #tpu.dot_dimension_numbers<[1], [0], [0], [1], [0, 0, 1, 1], [], []>, transpose_lhs_hint = false} : vector<2000x100xf32>, vector<100x128xf32>, vector<2000x128xf32> -> vector<2000x128xf32>
    %get3A_6 = arith.constant 0 : index
    %get3A_7 = arith.constant 0 : index
    %get3A_8 = vector.load %arg4[%get3A_6, %get3A_7] : memref<1x128xf32, #tpu.memory_space<vmem>>, vector<1x128xf32>
    %add3A = vector.broadcast %get3A_8 : vector<1x128xf32> to vector<2000x128xf32>
    %add3A_9 = arith.addf %dot_general3A_5, %add3A : vector<2000x128xf32>
    %mul3A = arith.constant 0.141421363 : f32
    %mul3A_10 = vector.broadcast %mul3A : f32 to vector<2000x128xf32>
    %mul3A_11 = arith.mulf %add3A_9, %mul3A_10 : vector<2000x128xf32>
    %swap3A = arith.constant 0 : index
    %swap3A_12 = arith.constant 0 : index
    %swap3A_13 = vector.load %arg11[%swap3A, %swap3A_12] : memref<2000x128xf32, #tpu.memory_space<vmem>>, vector<2000x128xf32>
    tpu.vector_store %arg11[%swap3A, %swap3A_12], %mul3A_11 {strides = array<i32>} : memref<2000x128xf32, #tpu.memory_space<vmem>>, vector<2000x128xf32>,
    %get3A_14 = arith.constant 0 : index
    %get3A_15 = arith.constant 0 : index
    %get3A_16 = vector.load %arg5[%get3A_14, %get3A_15] : memref<100x128xf32, #tpu.memory_space<vmem>>, vector<100x128xf32>
    %dot_general3A_17 = arith.constant dense<0.000000e+00> : vector<2000x128xf32>
    %dot_general3A_18 = tpu.matmul %get3A_1, %get3A_16, %dot_general3A_17 {dimension_numbers = #tpu.dot_dimension_numbers<[1], [0], [0], [1], [0, 0, 1, 1], [], []>, transpose_lhs_hint = false} : vector<2000x100xf32>, vector<100x128xf32>, vector<2000x128xf32> -> vector<2000x128xf32>
    %get3A_19 = arith.constant 0 : index
    %get3A_20 = arith.constant 0 : index
    %get3A_21 = vector.load %arg6[%get3A_19, %get3A_20] : memref<1x128xf32, #tpu.memory_space<vmem>>, vector<1x128xf32>
    %add3A_22 = vector.broadcast %get3A_21 : vector<1x128xf32> to vector<2000x128xf32>
    %add3A_23 = arith.addf %dot_general3A_18, %add3A_22 : vector<2000x128xf32>
    %swap3A_24 = arith.constant 0 : index
    %swap3A_25 = arith.constant 0 : index
    %swap3A_26 = vector.load %arg12[%swap3A_24, %swap3A_25] : memref<2000x128xf32, #tpu.memory_space<vmem>>, vector<2000x128xf32>
    tpu.vector_store %arg12[%swap3A_24, %swap3A_25], %add3A_23 {strides = array<i32>} : memref<2000x128xf32, #tpu.memory_space<vmem>>, vector<2000x128xf32>,
    %get3A_27 = arith.constant 0 : index
    %get3A_28 = arith.constant 0 : index
    %get3A_29 = vector.load %arg7[%get3A_27, %get3A_28] : memref<100x128xf32, #tpu.memory_space<vmem>>, vector<100x128xf32>
    %dot_general3A_30 = arith.constant dense<0.000000e+00> : vector<2000x128xf32>
    %dot_general3A_31 = tpu.matmul %get3A_1, %get3A_29, %dot_general3A_30 {dimension_numbers = #tpu.dot_dimension_numbers<[1], [0], [0], [1], [0, 0, 1, 1], [], []>, transpose_lhs_hint = false} : vector<2000x100xf32>, vector<100x128xf32>, vector<2000x128xf32> -> vector<2000x128xf32>
    %get3A_32 = arith.constant 0 : index
    %get3A_33 = arith.constant 0 : index
    %get3A_34 = vector.load %arg8[%get3A_32, %get3A_33] : memref<1x128xf32, #tpu.memory_space<vmem>>, vector<1x128xf32>
    %add3A_35 = vector.broadcast %get3A_34 : vector<1x128xf32> to vector<2000x128xf32>
    %add3A_36 = arith.addf %dot_general3A_31, %add3A_35 : vector<2000x128xf32>
    %iota3A = tpu.iota {dimensions = array<i32: 1>} : vector<2000x128xi32>
    %eq3A = arith.constant 100 : i32
    %eq3A_37 = vector.broadcast %eq3A : i32 to vector<2000x128xi32>
    %eq3A_38 = arith.cmpi eq, %iota3A, %eq3A_37 : vector<2000x128xi32>
    %get3A_39 = arith.constant 0 : index
    %get3A_40 = arith.constant 0 : index
    %get3A_41 = vector.load %arg2[%get3A_39, %get3A_40] : memref<2000x1xf32, #tpu.memory_space<vmem>>, vector<2000x1xf32>
    %broadcast_in_dim3A = vector.shape_cast %get3A_41 : vector<2000x1xf32> to vector<2000x1xf32>
    %broadcast_in_dim3A_42 = vector.broadcast %broadcast_in_dim3A : vector<2000x1xf32> to vector<2000x128xf32>
    %select_n3A = arith.select %eq3A_38, %broadcast_in_dim3A_42, %add3A_36 : vector<2000x128xi1>, vector<2000x128xf32>
    %swap3A_43 = arith.constant 0 : index
    %swap3A_44 = arith.constant 0 : index
    %swap3A_45 = vector.load %arg13[%swap3A_43, %swap3A_44] : memref<2000x128xf32, #tpu.memory_space<vmem>>, vector<2000x128xf32>
    tpu.vector_store %arg13[%swap3A_43, %swap3A_44], %select_n3A {strides = array<i32>} : memref<2000x128xf32, #tpu.memory_space<vmem>>, vector<2000x128xf32>,
    %get3A_46 = arith.constant 0 : index
    %get3A_47 = arith.constant 0 : index
    %get3A_48 = vector.load %arg9[%get3A_46, %get3A_47] : memref<100x100xf32, #tpu.memory_space<vmem>>, vector<100x100xf32>
    %dot_general3A_49 = arith.constant dense<0.000000e+00> : vector<2000x100xf32>
    %dot_general3A_50 = tpu.matmul %get3A_1, %get3A_48, %dot_general3A_49 {dimension_numbers = #tpu.dot_dimension_numbers<[1], [0], [0], [1], [0, 0, 1, 1], [], []>, transpose_lhs_hint = false} : vector<2000x100xf32>, vector<100x100xf32>, vector<2000x100xf32> -> vector<2000x100xf32>
    %get3A_51 = arith.constant 0 : index
    %get3A_52 = arith.constant 0 : index
    %get3A_53 = vector.load %arg10[%get3A_51, %get3A_52] : memref<1x100xf32, #tpu.memory_space<vmem>>, vector<1x100xf32>
    %add3A_54 = vector.broadcast %get3A_53 : vector<1x100xf32> to vector<2000x100xf32>
    %add3A_55 = arith.addf %dot_general3A_50, %add3A_54 : vector<2000x100xf32>
    %swap3A_56 = arith.constant 0 : index
    %swap3A_57 = arith.constant 0 : index
    %swap3A_58 = vector.load %arg14[%swap3A_56, %swap3A_57] : memref<2000x100xf32, #tpu.memory_space<vmem>>, vector<2000x100xf32>
    tpu.vector_store %arg14[%swap3A_56, %swap3A_57], %add3A_55 {strides = array<i32>} : memref<2000x100xf32, #tpu.memory_space<vmem>>, vector<2000x100xf32>,
    return
  }
  func.func @transform_0(%arg0: i32) -> (i32, i32) {
    %c0_i32 = arith.constant 0 : i32
    %c0_i32_0 = arith.constant 0 : i32
    return %arg0, %c0_i32 : i32, i32
  }
  func.func @transform_1(%arg0: i32) -> (i32, i32) {
    %c0_i32 = arith.constant 0 : i32
    %c0_i32_0 = arith.constant 0 : i32
    return %arg0, %c0_i32 : i32, i32
  }
  func.func @transform_2(%arg0: i32) -> (i32, i32) {
    %c0_i32 = arith.constant 0 : i32
    %c0_i32_0 = arith.constant 0 : i32
    %c0_i32_1 = arith.constant 0 : i32
    return %c0_i32, %c0_i32_0 : i32, i32
  }
  func.func @transform_3(%arg0: i32) -> (i32, i32) {
    %c0_i32 = arith.constant 0 : i32
    %c0_i32_0 = arith.constant 0 : i32
    %c0_i32_1 = arith.constant 0 : i32
    return %c0_i32, %c0_i32_0 : i32, i32
  }
  func.func @transform_4(%arg0: i32) -> (i32, i32) {
    %c0_i32 = arith.constant 0 : i32
    %c0_i32_0 = arith.constant 0 : i32
    %c0_i32_1 = arith.constant 0 : i32
    return %c0_i32, %c0_i32_0 : i32, i32
  }
  func.func @transform_5(%arg0: i32) -> (i32, i32) {
    %c0_i32 = arith.constant 0 : i32
    %c0_i32_0 = arith.constant 0 : i32
    %c0_i32_1 = arith.constant 0 : i32
    return %c0_i32, %c0_i32_0 : i32, i32
  }
  func.func @transform_6(%arg0: i32) -> (i32, i32) {
    %c0_i32 = arith.constant 0 : i32
    %c0_i32_0 = arith.constant 0 : i32
    %c0_i32_1 = arith.constant 0 : i32
    return %c0_i32, %c0_i32_0 : i32, i32
  }
  func.func @transform_7(%arg0: i32) -> (i32, i32) {
    %c0_i32 = arith.constant 0 : i32
    %c0_i32_0 = arith.constant 0 : i32
    %c0_i32_1 = arith.constant 0 : i32
    return %c0_i32, %c0_i32_0 : i32, i32
  }
  func.func @transform_8(%arg0: i32) -> (i32, i32) {
    %c0_i32 = arith.constant 0 : i32
    %c0_i32_0 = arith.constant 0 : i32
    %c0_i32_1 = arith.constant 0 : i32
    return %c0_i32, %c0_i32_0 : i32, i32
  }
  func.func @transform_9(%arg0: i32) -> (i32, i32) {
    %c0_i32 = arith.constant 0 : i32
    %c0_i32_0 = arith.constant 0 : i32
    %c0_i32_1 = arith.constant 0 : i32
    return %c0_i32, %c0_i32_0 : i32, i32
  }
  func.func @transform_10(%arg0: i32) -> (i32, i32) {
    %c0_i32 = arith.constant 0 : i32
    %c0_i32_0 = arith.constant 0 : i32
    return %arg0, %c0_i32 : i32, i32
  }
  func.func @transform_11(%arg0: i32) -> (i32, i32) {
    %c0_i32 = arith.constant 0 : i32
    %c0_i32_0 = arith.constant 0 : i32
    return %arg0, %c0_i32 : i32, i32
  }
  func.func @transform_12(%arg0: i32) -> (i32, i32) {
    %c0_i32 = arith.constant 0 : i32
    %c0_i32_0 = arith.constant 0 : i32
    return %arg0, %c0_i32 : i32, i32
  }
  func.func @transform_13(%arg0: i32) -> (i32, i32) {
    %c0_i32 = arith.constant 0 : i32
    %c0_i32_0 = arith.constant 0 : i32
    return %arg0, %c0_i32 : i32, i32
  }
}

module attributes {stable_mosaic.version = 14 : i64} {
  func.func @_edge_pass_kernel(%arg0: i32, %arg1: memref<2000x1xf32, #tpu.memory_space<vmem>>, %arg2: memref<2000x100xf32, #tpu.memory_space<vmem>>, %arg3: memref<2000x128xf32, #tpu.memory_space<vmem>>, %arg4: memref<2000x128xf32, #tpu.memory_space<vmem>>, %arg5: memref<2000x128xf32, #tpu.memory_space<vmem>>, %arg6: memref<1x128xf32, #tpu.memory_space<vmem>>, %arg7: memref<1x128xf32, #tpu.memory_space<vmem>>, %arg8: memref<128x128xf32, #tpu.memory_space<vmem>>, %arg9: memref<100x128xf32, #tpu.memory_space<vmem>>, %arg10: memref<2000x128xf32, #tpu.memory_space<vmem>>) attributes {dimension_semantics = [#tpu.dimension_semantics<arbitrary>], iteration_bounds = array<i64: 400>, scalar_prefetch = 0 : i64, scratch_operands = 0 : i64, tpu.core_type = #tpu.core_type<tc>, window_params = [{transform_indices = @transform_0, window_bounds = array<i64: 2000, 1>}, {transform_indices = @transform_1, window_bounds = array<i64: 2000, 100>}, {transform_indices = @transform_2, window_bounds = array<i64: 2000, 128>}, {transform_indices = @transform_3, window_bounds = array<i64: 2000, 128>}, {transform_indices = @transform_4, window_bounds = array<i64: 2000, 128>}, {pipeline_mode = #tpu.pipeline_mode<synchronous>, transform_indices = @transform_5, window_bounds = array<i64: 1, 128>}, {pipeline_mode = #tpu.pipeline_mode<synchronous>, transform_indices = @transform_6, window_bounds = array<i64: 1, 128>}, {pipeline_mode = #tpu.pipeline_mode<synchronous>, transform_indices = @transform_7, window_bounds = array<i64: 128, 128>}, {pipeline_mode = #tpu.pipeline_mode<synchronous>, transform_indices = @transform_8, window_bounds = array<i64: 100, 128>}, {transform_indices = @transform_9, window_bounds = array<i64: 2000, 128>}]} {
    %get3A = arith.constant 0 : index
    %get3A_0 = arith.constant 100 : index
    %get3A_1 = vector.load %arg5[%get3A, %get3A_0] : memref<2000x128xf32, #tpu.memory_space<vmem>>, vector<2000x1xf32>
    %get3A_2 = arith.constant 0 : index
    %get3A_3 = arith.constant 0 : index
    %get3A_4 = vector.load %arg1[%get3A_2, %get3A_3] : memref<2000x1xf32, #tpu.memory_space<vmem>>, vector<2000x1xf32>
    %sub3A = arith.subf %get3A_1, %get3A_4 : vector<2000x1xf32>
    %get3A_5 = arith.constant 0 : index
    %get3A_6 = arith.constant 0 : index
    %get3A_7 = vector.load %arg6[%get3A_5, %get3A_6] : memref<1x128xf32, #tpu.memory_space<vmem>>, vector<1x128xf32>
    %mul3A = vector.broadcast %sub3A : vector<2000x1xf32> to vector<2000x128xf32>
    %mul3A_8 = vector.broadcast %get3A_7 : vector<1x128xf32> to vector<2000x128xf32>
    %mul3A_9 = arith.mulf %mul3A, %mul3A_8 : vector<2000x128xf32>
    %get3A_10 = arith.constant 0 : index
    %get3A_11 = arith.constant 0 : index
    %get3A_12 = vector.load %arg7[%get3A_10, %get3A_11] : memref<1x128xf32, #tpu.memory_space<vmem>>, vector<1x128xf32>
    %add3A = vector.broadcast %get3A_12 : vector<1x128xf32> to vector<2000x128xf32>
    %add3A_13 = arith.addf %mul3A_9, %add3A : vector<2000x128xf32>
    %cos3A = math.cos %add3A_13 : vector<2000x128xf32>
    %get3A_14 = arith.constant 0 : index
    %get3A_15 = arith.constant 0 : index
    %get3A_16 = vector.load %arg8[%get3A_14, %get3A_15] : memref<128x128xf32, #tpu.memory_space<vmem>>, vector<128x128xf32>
    %dot_general3A = arith.constant dense<0.000000e+00> : vector<2000x128xf32>
    %dot_general3A_17 = tpu.matmul %cos3A, %get3A_16, %dot_general3A {dimension_numbers = #tpu.dot_dimension_numbers<[1], [0], [0], [1], [0, 0, 1, 1], [], []>, transpose_lhs_hint = false} : vector<2000x128xf32>, vector<128x128xf32>, vector<2000x128xf32> -> vector<2000x128xf32>
    %get3A_18 = arith.constant 0 : index
    %get3A_19 = arith.constant 0 : index
    %get3A_20 = vector.load %arg2[%get3A_18, %get3A_19] : memref<2000x100xf32, #tpu.memory_space<vmem>>, vector<2000x100xf32>
    %get3A_21 = arith.constant 0 : index
    %get3A_22 = arith.constant 0 : index
    %get3A_23 = vector.load %arg9[%get3A_21, %get3A_22] : memref<100x128xf32, #tpu.memory_space<vmem>>, vector<100x128xf32>
    %dot_general3A_24 = arith.constant dense<0.000000e+00> : vector<2000x128xf32>
    %dot_general3A_25 = tpu.matmul %get3A_20, %get3A_23, %dot_general3A_24 {dimension_numbers = #tpu.dot_dimension_numbers<[1], [0], [0], [1], [0, 0, 1, 1], [], []>, transpose_lhs_hint = false} : vector<2000x100xf32>, vector<100x128xf32>, vector<2000x128xf32> -> vector<2000x128xf32>
    %add3A_26 = arith.addf %dot_general3A_17, %dot_general3A_25 : vector<2000x128xf32>
    %get3A_27 = arith.constant 0 : index
    %get3A_28 = arith.constant 0 : index
    %get3A_29 = vector.load %arg4[%get3A_27, %get3A_28] : memref<2000x128xf32, #tpu.memory_space<vmem>>, vector<2000x128xf32>
    %add3A_30 = arith.addf %get3A_29, %add3A_26 : vector<2000x128xf32>
    %get3A_31 = arith.constant 0 : index
    %get3A_32 = arith.constant 0 : index
    %get3A_33 = vector.load %arg5[%get3A_31, %get3A_32] : memref<2000x128xf32, #tpu.memory_space<vmem>>, vector<2000x128xf32>
    %add3A_34 = arith.addf %get3A_33, %add3A_26 : vector<2000x128xf32>
    %get3A_35 = arith.constant 0 : index
    %get3A_36 = arith.constant 0 : index
    %get3A_37 = vector.load %arg3[%get3A_35, %get3A_36] : memref<2000x128xf32, #tpu.memory_space<vmem>>, vector<2000x128xf32>
    %mul3A_38 = arith.mulf %get3A_37, %add3A_30 : vector<2000x128xf32>
    %iota3A = tpu.iota {dimensions = array<i32: 1>} : vector<2000x128xi32>
    %lt3A = arith.constant 50 : i32
    %lt3A_39 = vector.broadcast %lt3A : i32 to vector<2000x128xi32>
    %lt3A_40 = arith.cmpi slt, %iota3A, %lt3A_39 : vector<2000x128xi32>
    %jit3A = arith.constant 0.000000e+00 : f32
    %broadcast_in_dim3A = vector.broadcast %jit3A : f32 to vector<2000x128xf32>
    %select_n3A = arith.select %lt3A_40, %mul3A_38, %broadcast_in_dim3A : vector<2000x128xi1>, vector<2000x128xf32>
    %reduce_sum3A = arith.constant dense<0.000000e+00> : vector<2000xf32>
    %reduce_sum3A_41 = vector.multi_reduction <add>, %select_n3A, %reduce_sum3A [1] : vector<2000x128xf32> to vector<2000xf32>
    %broadcast_in_dim3A_42 = vector.shape_cast %reduce_sum3A_41 : vector<2000xf32> to vector<2000x1xf32>
    %jit3A_43 = arith.constant 0.000000e+00 : f32
    %broadcast_in_dim3A_44 = vector.broadcast %jit3A_43 : f32 to vector<2000x128xf32>
    %select_n3A_45 = arith.select %lt3A_40, %broadcast_in_dim3A_44, %mul3A_38 : vector<2000x128xi1>, vector<2000x128xf32>
    %reduce_sum3A_46 = arith.constant dense<0.000000e+00> : vector<2000xf32>
    %reduce_sum3A_47 = vector.multi_reduction <add>, %select_n3A_45, %reduce_sum3A_46 [1] : vector<2000x128xf32> to vector<2000xf32>
    %broadcast_in_dim3A_48 = vector.shape_cast %reduce_sum3A_47 : vector<2000xf32> to vector<2000x1xf32>
    %exp3A = math.exp %broadcast_in_dim3A_42 : vector<2000x1xf32>
    %exp3A_49 = math.exp %broadcast_in_dim3A_48 : vector<2000x1xf32>
    %broadcast_in_dim3A_50 = vector.shape_cast %exp3A : vector<2000x1xf32> to vector<2000x1xf32>
    %broadcast_in_dim3A_51 = vector.broadcast %broadcast_in_dim3A_50 : vector<2000x1xf32> to vector<2000x128xf32>
    %broadcast_in_dim3A_52 = vector.shape_cast %exp3A_49 : vector<2000x1xf32> to vector<2000x1xf32>
    %broadcast_in_dim3A_53 = vector.broadcast %broadcast_in_dim3A_52 : vector<2000x1xf32> to vector<2000x128xf32>
    %select_n3A_54 = arith.select %lt3A_40, %broadcast_in_dim3A_51, %broadcast_in_dim3A_53 : vector<2000x128xi1>, vector<2000x128xf32>
    %mul3A_55 = arith.mulf %select_n3A_54, %add3A_34 : vector<2000x128xf32>
    %eq3A = arith.constant 101 : i32
    %eq3A_56 = vector.broadcast %eq3A : i32 to vector<2000x128xi32>
    %eq3A_57 = arith.cmpi eq, %iota3A, %eq3A_56 : vector<2000x128xi32>
    %broadcast_in_dim3A_58 = vector.shape_cast %exp3A : vector<2000x1xf32> to vector<2000x1xf32>
    %broadcast_in_dim3A_59 = vector.broadcast %broadcast_in_dim3A_58 : vector<2000x1xf32> to vector<2000x128xf32>
    %select_n3A_60 = arith.select %eq3A_57, %broadcast_in_dim3A_59, %mul3A_55 : vector<2000x128xi1>, vector<2000x128xf32>
    %eq3A_61 = arith.constant 102 : i32
    %eq3A_62 = vector.broadcast %eq3A_61 : i32 to vector<2000x128xi32>
    %eq3A_63 = arith.cmpi eq, %iota3A, %eq3A_62 : vector<2000x128xi32>
    %broadcast_in_dim3A_64 = vector.shape_cast %exp3A_49 : vector<2000x1xf32> to vector<2000x1xf32>
    %broadcast_in_dim3A_65 = vector.broadcast %broadcast_in_dim3A_64 : vector<2000x1xf32> to vector<2000x128xf32>
    %select_n3A_66 = arith.select %eq3A_63, %broadcast_in_dim3A_65, %select_n3A_60 : vector<2000x128xi1>, vector<2000x128xf32>
    %swap3A = arith.constant 0 : index
    %swap3A_67 = arith.constant 0 : index
    %swap3A_68 = vector.load %arg10[%swap3A, %swap3A_67] : memref<2000x128xf32, #tpu.memory_space<vmem>>, vector<2000x128xf32>
    tpu.vector_store %arg10[%swap3A, %swap3A_67], %select_n3A_66 {strides = array<i32>} : memref<2000x128xf32, #tpu.memory_space<vmem>>, vector<2000x128xf32>,
    return
  }
  func.func @transform_0(%arg0: i32) -> (i32, i32) {
    %c0_i32 = arith.constant 0 : i32
    %c0_i32_0 = arith.constant 0 : i32
    return %arg0, %c0_i32 : i32, i32
  }
  func.func @transform_1(%arg0: i32) -> (i32, i32) {
    %c0_i32 = arith.constant 0 : i32
    %c0_i32_0 = arith.constant 0 : i32
    return %arg0, %c0_i32 : i32, i32
  }
  func.func @transform_2(%arg0: i32) -> (i32, i32) {
    %c0_i32 = arith.constant 0 : i32
    %c0_i32_0 = arith.constant 0 : i32
    return %arg0, %c0_i32 : i32, i32
  }
  func.func @transform_3(%arg0: i32) -> (i32, i32) {
    %c0_i32 = arith.constant 0 : i32
    %c0_i32_0 = arith.constant 0 : i32
    return %arg0, %c0_i32 : i32, i32
  }
  func.func @transform_4(%arg0: i32) -> (i32, i32) {
    %c0_i32 = arith.constant 0 : i32
    %c0_i32_0 = arith.constant 0 : i32
    return %arg0, %c0_i32 : i32, i32
  }
  func.func @transform_5(%arg0: i32) -> (i32, i32) {
    %c0_i32 = arith.constant 0 : i32
    %c0_i32_0 = arith.constant 0 : i32
    %c0_i32_1 = arith.constant 0 : i32
    return %c0_i32, %c0_i32_0 : i32, i32
  }
  func.func @transform_6(%arg0: i32) -> (i32, i32) {
    %c0_i32 = arith.constant 0 : i32
    %c0_i32_0 = arith.constant 0 : i32
    %c0_i32_1 = arith.constant 0 : i32
    return %c0_i32, %c0_i32_0 : i32, i32
  }
  func.func @transform_7(%arg0: i32) -> (i32, i32) {
    %c0_i32 = arith.constant 0 : i32
    %c0_i32_0 = arith.constant 0 : i32
    %c0_i32_1 = arith.constant 0 : i32
    return %c0_i32, %c0_i32_0 : i32, i32
  }
  func.func @transform_8(%arg0: i32) -> (i32, i32) {
    %c0_i32 = arith.constant 0 : i32
    %c0_i32_0 = arith.constant 0 : i32
    %c0_i32_1 = arith.constant 0 : i32
    return %c0_i32, %c0_i32_0 : i32, i32
  }
  func.func @transform_9(%arg0: i32) -> (i32, i32) {
    %c0_i32 = arith.constant 0 : i32
    %c0_i32_0 = arith.constant 0 : i32
    return %arg0, %c0_i32 : i32, i32
  }
}

</mosaic_0001>

<sc_bundles>
// kernel: kernel.6.cloned.1.call-start
scs
__scs_entry_jumppad:
0x0: {  	(pc) =	sbr.rel $0x88, $3  }
0x1: {  	(tag) =	ssettag $0x0;
	lr =	simm.s32 $0x1  }
0x2: {  	[smem:$0x3F91] =	sst lr;
	_ =	strace $0xD0000000  }
0x3: {  	_ = 	snop  }
0x4: {  	_ = 	snop  }
0x5: {  	_ = 	snop  }
0x6: {  	_ = 	snop  }
0x7: {  	_ = 	snop  }
__scs_overlays_trampoline_lowered:
0x8: {  	[smem:$0x3FA0] =	sst s0  }
0x9: {  	[smem:$0x3FA1] =	sst s1  }
0xa: {  	[smem:$0x3FA2] =	sst s2  }
0xb: {  	[smem:$0x3FA3] =	sst s3  }
0xc: {  	[smem:$0x3FA4] =	sst s4  }
0xd: {  	[smem:$0x3FA5] =	sst s5  }
0xe: {  	[smem:$0x3FA6] =	sst s6  }
0xf: {  	[smem:$0x3FA7] =	sst s7  }
0x10: {  	[smem:$0x3FA8] =	sst s8  }
0x11: {  	[smem:$0x3FA9] =	sst s9;
	s0 =	simm.s32 @!p0 $0x0  }
0x12: {  	s1 =	sld [smem:$0x3F8F];
	s0 =	simm.s32 @p0 $0x1  }
0x13: {  	[smem:$0x3FAA] =	sst s0;
	s0 =	simm.s32 @!p1 $0x0  }
0x14: {  	s2 =	sld [smem:$0x3F8E];
	s0 =	simm.s32 @p1 $0x1  }
0x15: {  	[smem:$0x3FAB] =	sst s0;
	s0 =	simm.s32 @!p2 $0x0  }
0x16: {  	s3 =	sld [smem:$0x3FDB];
	s0 =	simm.s32 @p2 $0x1  }
0x17: {  	s4 =	simm.s32 $0x1BF5;
	[smem:$0x3FAD] =	sst s0  }
0x18: {  	s0 =	sld [smem:$0x3F90];
	_ =	swait.ge [sflag:s4], $0x0  }
0x19: {  	s7 =	sld [smem:$0x3F91]  }
0x1a: {  	s8 =	sadd.s32 $0xFFFFE003, lr  }
0x1b: {  	s9 =	sadd.s32 $0xFFFFFEF7, lr;
	s5 =	simm.s32 $0xFFFFFFFF;
	p2 =	slt.u32 s8, $0xFFFFF086  }
0x1c: {  	p1 =	slt.u32 s9, $0xF7A;
	s5 =	simm.s32 @!p2 $0x0  }
0x1d: {  	s5 =	simm.s32 @p1 $0x1;
	p0 =	seq.s32 s7, s2  }
0x1e: {  	s7 =	smul.u32 @!p0 $0xF7A, s2;
	p2 =	seq.s32 @!p0 s5, $0x0  }
0x1f: {  	s9 =	smul.u32 $0xF7A, s1;
	s8 =	simm.s32 @!p0 $0x1BF5;
	p2 =	por !p2, p0  }
0x20: {  	[sflag:s8] =	ssyncset.s32 @!p0 $0xFFFFF086;
	s6 =	sadd.s32 @!p0 s3, s7;
	s7 =	simm.s32 @!p0 $0x108  }
0x21: {  	s3 =	sadd.s32 s3, s9;
	s6 =	sadd.s32 @!p0 $0x88, s6;
	s7 =	simm.s32 @p2 $0x1082  }
0x22: {  	[simem:s7], [sflag:s8] =	dma.local @!p0 [hbm:s6], $0xF7A  }
0x23: {  	s9 =	sor.u32 $0xD0000000, s2;
	s6 =	simm.s32 $0x108;
	_ =	swait.ge @!p0 [sflag:s8], $0x0  }
0x24: {  	s3 =	sadd.s32 $0x88, s3;
	s6 =	simm.s32 @!p1 $0x1082;
	[sflag:s4] =	ssyncset.s32 $0xFFFFF086  }
0x25: {  	[simem:s6], [sflag:s4] =	dma.local [hbm:s3], $0xF7A  }
0x26: {  	[smem:$0x3F91] =	sst s1;
	(tag) =	ssettag s2;
	_ =	strace s9  }
0x27: {  	s1 =	sld [smem:$0x3FA1]  }
0x28: {  	s2 =	sld [smem:$0x3FA2]  }
0x29: {  	s4 =	sld [smem:$0x3FA4]  }
0x2a: {  	p0 =	seq.s32 s5, $0x0;
	s5 =	sld [smem:$0x3FA5]  }
0x2b: {  	s6 =	sld [smem:$0x3FA6]  }
0x2c: {  	s7 =	sld [smem:$0x3FA7]  }
0x2d: {  	s3 =	simm.s32 $0x108;
	s8 =	sld [smem:$0x3FA8]  }
0x2e: {  	s3 =	simm.s32 @!p0 $0x1082;
	s9 =	sld [smem:$0x3FA9]  }
0x2f: {  	lr =	sadd.s32 s0, s3;
	s0 =	sld [smem:$0x3FA0]  }
0x30: {  	s3 =	sld [smem:$0x3FA3]  }
0x31: {  	[smem:$0x3FAC] =	sst s10  }
0x32: {  	s10 =	sld [smem:$0x3FAA];
	_ =	sdelay $0x3  }
0x33: {  	p0 =	seq.s32 s10, $0x1;
	s10 =	sld [smem:$0x3FAC];
	_ =	sdelay $0x3  }
0x34: {  	[smem:$0x3FAC] =	sst s10  }
0x35: {  	s10 =	sld [smem:$0x3FAB];
	_ =	sdelay $0x3  }
0x36: {  	p1 =	seq.s32 s10, $0x1;
	s10 =	sld [smem:$0x3FAC];
	_ =	sdelay $0x3  }
0x37: {  	[smem:$0x3FAC] =	sst s10  }
0x38: {  	s10 =	sld [smem:$0x3FAD]  }
0x39: {  	_ = 	snop;
	(pc) =	sbr.ind lr, $3  }
0x3a: {  	_ = 	snop  }
0x3b: {  	_ = 	snop  }
0x3c: {  	p2 =	seq.s32 s10, $0x1;
	s10 =	sld [smem:$0x3FAC]  }
0x3d: {  	_ =	shalt  }
0x3e: {  	_ =	shalt  }
0x3f: {  	_ =	shalt  }
0x40: {  	_ =	shalt  }
0x41: {  	_ =	shalt  }
0x42: {  	_ =	shalt  }
0x43: {  	_ =	shalt  }
0x44: {  	_ =	shalt  }
0x45: {  	_ =	shalt  }
0x46: {  	_ =	shalt  }
0x47: {  	_ =	shalt  }
0x48: {  	_ =	shalt  }
0x49: {  	_ =	shalt  }
0x4a: {  	_ =	shalt  }
0x4b: {  	_ =	shalt  }
0x4c: {  	_ =	shalt  }
0x4d: {  	_ =	shalt  }
0x4e: {  	_ =	shalt  }
0x4f: {  	_ =	shalt  }
0x50: {  	_ =	shalt  }
0x51: {  	_ =	shalt  }
0x52: {  	_ =	shalt  }
0x53: {  	_ =	shalt  }
0x54: {  	_ =	shalt  }
0x55: {  	_ =	shalt  }
0x56: {  	_ =	shalt  }
0x57: {  	_ =	shalt  }
0x58: {  	_ =	shalt  }
0x59: {  	_ =	shalt  }
0x5a: {  	_ =	shalt  }
0x5b: {  	_ =	shalt  }
0x5c: {  	_ =	shalt  }
0x5d: {  	_ =	shalt  }
0x5e: {  	_ =	shalt  }
0x5f: {  	_ =	shalt  }
0x60: {  	_ =	shalt  }
0x61: {  	_ =	shalt  }
0x62: {  	_ =	shalt  }
0x63: {  	_ =	shalt  }
0x64: {  	_ =	shalt  }
0x65: {  	_ =	shalt  }
0x66: {  	_ =	shalt  }
0x67: {  	_ =	shalt  }
0x68: {  	_ =	shalt  }
0x69: {  	_ =	shalt  }
0x6a: {  	_ =	shalt  }
0x6b: {  	_ =	shalt  }
0x6c: {  	_ =	shalt  }
0x6d: {  	_ =	shalt  }
0x6e: {  	_ =	shalt  }
0x6f: {  	_ =	shalt  }
0x70: {  	_ =	shalt  }
0x71: {  	_ =	shalt  }
0x72: {  	_ =	shalt  }
0x73: {  	_ =	shalt  }
0x74: {  	_ =	shalt  }
0x75: {  	_ =	shalt  }
0x76: {  	_ =	shalt  }
0x77: {  	_ =	shalt  }
0x78: {  	_ =	shalt  }
0x79: {  	_ =	shalt  }
0x7a: {  	_ =	shalt  }
0x7b: {  	_ =	shalt  }
0x7c: {  	_ =	shalt  }
0x7d: {  	_ =	shalt  }
0x7e: {  	_ =	shalt  }
0x7f: {  	_ =	shalt  }
0x80: {  	_ =	shalt  }
0x81: {  	_ =	shalt  }
0x82: {  	_ =	shalt  }
0x83: {  	_ =	shalt  }
0x84: {  	_ =	shalt  }
0x85: {  	_ =	shalt  }
0x86: {  	_ =	shalt  }
0x87: {  	_ =	shalt  }
.Lfunc_end0:
.L_simem_size_0:
called_computation_lowered:
.L_overlay_start_0:
0x88: {  	s2 =	sld [smem:$0x3FD9]  }
0x89: {  	s3 =	sld [smem:$0x3FFE];
	_ =	sdelay $0x1  }
0x8a: {  	s1 =	srdreg.scid  }
0x8b: {  	s0 =	sand.u32 $0x1, s1  }
0x8c: {  	s16 =	sshll.u32 s0, $0xA;
	s2 =	sadd.s32 s3, s2  }
0x8d: {  	s2 =	sadd.s32 s2, s16  }
0x8e: {  	[smem:$0x3FB8] =	sst s2  }
0x8f: {  	_ = 	snop  }
0x90: {  	(tm) =	ssettm $0x1  }
0x91: {  	s17 =	sld [smem:$0x3FFB];
	_ =	sdelay $0x3  }
0x92: {  	_ =	strace s17  }
0x93: {  	s2 =	sld [smem:$0x3FFC];
	_ =	sdelay $0x3  }
0x94: {  	_ =	strace s2  }
0x95: {  	s2 =	sld [smem:$0x3FFD];
	_ =	sdelay $0x3  }
0x96: {  	_ =	strace s2  }
0x97: {  	_ =	strace $0x8FFFFFFF  }
0x98: {  	s18 =	sld [smem:$0x3FDB];
	_ =	sdelay $0x1  }
0x99: {  	s19 =	simm.s32 $_scs_section_size  }
0x9a: {  	s4 =	simm.s32 $_size__tile_overlayer_lowered;
	s5 =	simm.s32 $_tile_overlayer_lowered  }
0x9b: {  	s22 =	simm.s32 $0x1BFF;
	s21 =	sshll.u32 s5, $0x1;
	s2 =	sadd.s32 s19, s18  }
0x9c: {  	s6 =	simm.s32 $0x0;
	s20 =	sshll.u32 s4, $0x1;
	s4 =	sadd.s32 s21, s2  }
0x9d: {  	[timem:s6], [sflag:s22] =	dma.local [hbm:s4], s20  }
0x9e: {  	_ =	swait.ge [sflag:s22], s20  }
0x9f: {  	s3 =	ssub.s32 $0x0, s20;
	[sflag:s22] =	ssyncset.done $0x0  }
0xa0: {  	[sflag:s22] =	ssyncadd.s32 s3;
	_ =	sdelay $0x1  }
0xa1: {  	s23 =	simm.s32 $0x1B8B  }
0xa2: {  	_ =	swait.ge [sflag:s23], $0x1  }
0xa3: {  	[sflag:s23] =	ssyncset.done $0x0  }
0xa4: {  	s25 =	simm.s32 $0x1B8E;
	s24 =	sld [smem:$0x3FFE];
	[sflag:s23] =	ssyncadd.s32 $0xFFFFFFFF  }
0xa5: {  	s26 =	simm.s32 $execute0_lowered;
	[smem:$0x3FD2] =	sst s25  }
0xa6: {  	s4 =	sshll.u32 s26, $0x1;
	_ =	strace $0x80000046;
	[dreg:$0x1] =	wrdreg $0xFFFFFFFF  }
0xa7: {  	s28 =	simm.s32 $_size_execute0_lowered;
	s2 =	sadd.s32 s2, s4;
	[dreg:$0x0] =	wrdreg $0x0  }
0xa8: {  	s4 =	sshll.u32 s28, $0x1;
	[dreg:$0x2] =	wrdreg s2  }
0xa9: {  	[dreg:$0x3] =	wrdreg s4  }
0xaa: {  	[dreg:$0x4] =	wrdreg $0xC0  }
0xab: {  	_ =	task [dreg:s6], $0x5FFFF  }
0xac: {  	[dreg:$0x1] =	wrdreg $0xFFFFFFFF  }
0xad: {  	[dreg:$0x0] =	wrdreg $0x60  }
0xae: {  	[dreg:$0x2] =	wrdreg s24  }
0xaf: {  	[dreg:$0x3] =	wrdreg $0x9  }
0xb0: {  	_ =	task.clear_ibuf [dreg:s6], $0x4FFFF;
	_ =	strace $0x90000046  }
0xb1: {  	s29 =	simm.s32 $0x9;
	_ =	strace $0x80000048  }
0xb2: {  	_ =	swait.ge [sflag:s29], $0x1  }
0xb3: {  	[sflag:s29] =	ssyncadd.s32 $0xFFFFFFFF  }
0xb4: {  	_ =	strace $0x90000048  }
0xb5: {  	_ =	sfence  }
0xb6: {  	s30 =	sld [smem:$0x0];
	_ =	sdelay $0x2  }
0xb7: {  	s31 =	sshll.u32 s1, $0xD;
	s1 =	sshrl.u32 s1, $0x2  }
0xb8: {  	s3 =	sand.u32 $0x4000, s31;
	s1 =	sadd.s32 s1, s30  }
0xb9: {  	s0 =	sor.u32 s3, s0;
	s1 =	sshll.u32 s1, $0x11  }
0xba: {  	s0 =	sor.u32 s1, s0  }
0xbb: {  	s0 =	sadd.s32 $0x8F2B, s0  }
0xbc: {  	[sflag:s0] =	ssyncadd.remote.s32 $0x1  }
0xbd: {  	_ =	sfence.sel $0xFFFF  }
0xbe: {  	[dreg:$0x0] =	wrdreg $0xFFFFFFFF;
	(pc) =	sbr.abs _section_cstart, $3  }
0xbf: {  	[dreg:$0x1] =	wrdreg $0xFFFFFFFF  }
0xc0: {  	_ =	task.clear_ibuf [dreg:s6], $0x2FFFF;
	_ =	strace $0x9FFFFFFF  }
0xc1: {  	(tm) =	ssettm $0x7FFFFFFF  }
tec
execute0_lowered:
.L_overlay_start_1:
0x0: {  	(tag) =	ssettag $0x1  }
0x1: {  	s6 =	rddreg [dreg:$0x0]  }
0x2: {  	s0 =	rddreg [dreg:$0x1];
	s1 =	simm.s32 $0x0  }
0x3: {  	s2 =	stileid.u32;
	[smem:$0x7FF] =	sst s1  }
0x4: {  	s8 =	srdreg.scid;
	s3 =	sadd.s32 $0x296800, s6;
	s4 =	sadd.s32 $0x359E00, s6  }
0x5: {  	s5 =	sadd.s32 $0x1D3200, s6;
	s7 =	sshll.u32 s2, $0x5;
	s9 =	sshll.u32 s2, $0xC  }
0x6: {  	s8 =	sand.u32 $0x1, s8;
	_ =	strace $0x80000047;
	s7 =	sadd.s32 s7, s6  }
0x7: {  	s9 =	sadd.s32 s9, s6;
	s30 =	ssub.s32 $0x2, s8;
	s10 =	sshll.u32 s8, $0x4  }
0x8: {  	s31 =	sshll.u32 s8, $0xB;
	s11 =	sshrl.u32 s30, $0x1;
	s10 =	sadd.s32 s10, s7  }
0x9: {  	s12 =	sadd.s32 s31, s9;
	s7 =	sshll.u32 s2, $0x1;
	s6 =	sadd.s32 $0x1A2200, s10  }
0xa: {  	s11 =	ssub.s32 s30, s11;
	s8 =	sadd.s32 $0x1BAA00, s10;
	s9 =	sadd.s32 $0x1D4AA00, s12  }
0xb: {  	s10 =	smax.u32 s11, $0x1;
	s11 =	sadd.s32 $0x1115A00, s12;
	s12 =	sadd.s32 $0x4E0A00, s12  }
.LBB2_1:
0xc: {  	p0 =	sgt.u32 s7, $0x1869  }
0xd: {  	s15 =	simm.s32 @!p0 $0x0;
	s16 =	simm.s32 @!p0 $0x5;
	p0 =	por p0, p0  }
0xe: {  	[tilespmem:s15], [sflag:$0x5] =	stream.linear.gather @!p0 [hbm4b:s8+s15], $0x80, $0x38;
	[tilespmem:$0xC100] =	vst v63  }
0xf: {  	_ =	swait.ge @!p0 [sflag:s16], $0x80  }
0x10: {  	[sflag:s16] =	ssyncset.done @!p0 $0x0  }
0x11: {  	s13 =	simm.s32 @!p0 $0x80;
	[sflag:s16] =	ssyncadd.s32 @!p0 $0xFFFFFF80  }
0x12: {  	[tilespmem:s13], [sflag:$0x5] =	stream.linear.gather @!p0 [hbm4b:s6+s15], $0x80, $0x38;
	[tilespmem:$0xC100] =	vst v63  }
0x13: {  	_ =	swait.ge @!p0 [sflag:s16], $0x80  }
0x14: {  	[sflag:s16] =	ssyncset.done @!p0 $0x0  }
0x15: {  	s14 =	simm.s32 @!p0 $0x100;
	[sflag:s16] =	ssyncadd.s32 @!p0 $0xFFFFFF80  }
0x16: {  	[tilespmem:s14], [sflag:$0x1] =	stream.indirect.gather @!p0 [hbm4b:s3+s13], $0x80, s15, s13, $0xb8;
	[tilespmem:$0xC100] =	vst v63  }
0x17: {  	s17 =	simm.s32 @!p0 $0x4100  }
0x18: {  	[tilespmem:s17], [sflag:$0x2] =	stream.indirect.gather @!p0 [hbm4b:s4+s13], $0x80, s15, s13, $0xb8;
	[tilespmem:$0xC100] =	vst v63  }
0x19: {  	s18 =	simm.s32 @!p0 $0x8100;
	s19 =	simm.s32 @!p0 $0x1  }
0x1a: {  	[tilespmem:s18], [sflag:$0x3] =	stream.indirect.gather @!p0 [hbm4b:s5+s13], $0x80, s13, s13, $0xb8;
	[tilespmem:$0xC100] =	vst v63  }
0x1b: {  	_ =	swait.ge @!p0 [sflag:s19], $0x4000  }
0x1c: {  	[sflag:s19] =	ssyncset.done @!p0 $0x0  }
0x1d: {  	s13 =	simm.s32 @!p0 $0x2;
	[sflag:s19] =	ssyncadd.s32 @!p0 $0xFFFFC000  }
0x1e: {  	_ =	swait.ge @!p0 [sflag:s13], $0x4000  }
0x1f: {  	[sflag:s13] =	ssyncset.done @!p0 $0x0  }
0x20: {  	[sflag:s13] =	ssyncadd.s32 @!p0 $0xFFFFC000;
	s13 =	simm.s32 @!p0 $0x3  }
0x21: {  	_ =	swait.ge @!p0 [sflag:s13], $0x4000  }
0x22: {  	[sflag:s13] =	ssyncset.done @!p0 $0x0  }
0x23: {  	[sflag:s13] =	ssyncadd.s32 @!p0 $0xFFFFC000;
	s13 =	sadd.s32 @!p0 $0x0, s12  }
0x24: {  	[hbm4b:s13+s15] =	stream.linear.scatter @!p0 [tilespmem:s14], [sflag:$0x5], $0x4000, $0x38;
	[tilespmem:$0xC100] =	vst v63  }
0x25: {  	_ =	swait.ge @!p0 [sflag:s16], $0x4000  }
0x26: {  	[sflag:s16] =	ssyncset.done @!p0 $0x0  }
0x27: {  	s13 =	sadd.s32 @!p0 $0x0, s11;
	[sflag:s16] =	ssyncadd.s32 @!p0 $0xFFFFC000  }
0x28: {  	[hbm4b:s13+s15] =	stream.linear.scatter @!p0 [tilespmem:s17], [sflag:$0x5], $0x4000, $0x38;
	[tilespmem:$0xC100] =	vst v63  }
0x29: {  	_ =	swait.ge @!p0 [sflag:s16], $0x4000  }
0x2a: {  	s20 =	simm.s32 @!p0 $0x4;
	s14 =	simm.s32 $0x20000;
	[sflag:s16] =	ssyncset.done @!p0 $0x0  }
0x2b: {  	s17 =	sadd.s32 $0x20, s7;
	[sflag:s16] =	ssyncadd.s32 @!p0 $0xFFFFC000;
	s16 =	sadd.s32 @!p0 $0x0, s9  }
0x2c: {  	[hbm4b:s16+s15] =	stream.linear.scatter @!p0 [tilespmem:s18], [sflag:$0x4], $0x4000, $0x38;
	[tilespmem:$0xC100] =	vst v63  }
0x2d: {  	s13 =	simm.s32 $0x10000;
	p2 =	sgt.u32 s17, $0x1869;
	_ =	swait.ge @!p0 [sflag:s20], $0x4000  }
0x2e: {  	s16 =	sadd.s32 $0x200, s8;
	s15 =	sadd.s32 $0x200, s6;
	[sflag:s20] =	ssyncset.done @!p0 $0x0  }
.LBB2_2:
0x2f: {  	s18 =	simm.s32 @!p2 $0x0;
	s19 =	simm.s32 @!p2 $0x5;
	[sflag:s20] =	ssyncadd.s32 @!p0 $0xFFFFC000  }
0x30: {  	s20 =	smov.u32 s13;
	s13 =	smov.u32 s14;
	p0 =	por p2, p2  }
0x31: {  	[tilespmem:s18], [sflag:$0x5] =	stream.linear.gather @!p0 [hbm4b:s16+s18], $0x80, $0x38;
	[tilespmem:$0xC100] =	vst v63  }
0x32: {  	s14 =	sadd.s32 $0x10000, s14;
	_ =	swait.ge @!p0 [sflag:s19], $0x80  }
0x33: {  	p1 =	sne.s32 s14, $0xC40000;
	[sflag:s19] =	ssyncset.done @!p0 $0x0  }
0x34: {  	s21 =	simm.s32 @!p0 $0x80;
	[sflag:s19] =	ssyncadd.s32 @!p0 $0xFFFFFF80  }
0x35: {  	[tilespmem:s21], [sflag:$0x5] =	stream.linear.gather @!p0 [hbm4b:s15+s18], $0x80, $0x38;
	[tilespmem:$0xC100] =	vst v63  }
0x36: {  	_ =	swait.ge @!p0 [sflag:s19], $0x80  }
0x37: {  	[sflag:s19] =	ssyncset.done @!p0 $0x0  }
0x38: {  	s22 =	simm.s32 @!p0 $0x100;
	[sflag:s19] =	ssyncadd.s32 @!p0 $0xFFFFFF80  }
0x39: {  	[tilespmem:s22], [sflag:$0x1] =	stream.indirect.gather @!p0 [hbm4b:s3+s21], $0x80, s18, s21, $0xb8;
	[tilespmem:$0xC100] =	vst v63  }
0x3a: {  	s23 =	simm.s32 @!p0 $0x4100  }
0x3b: {  	[tilespmem:s23], [sflag:$0x2] =	stream.indirect.gather @!p0 [hbm4b:s4+s21], $0x80, s18, s21, $0xb8;
	[tilespmem:$0xC100] =	vst v63  }
0x3c: {  	s24 =	simm.s32 @!p0 $0x8100;
	s25 =	simm.s32 @!p0 $0x1  }
0x3d: {  	[tilespmem:s24], [sflag:$0x3] =	stream.indirect.gather @!p0 [hbm4b:s5+s21], $0x80, s21, s21, $0xb8;
	[tilespmem:$0xC100] =	vst v63  }
0x3e: {  	_ =	swait.ge @!p0 [sflag:s25], $0x4000  }
0x3f: {  	[sflag:s25] =	ssyncset.done @!p0 $0x0  }
0x40: {  	s21 =	simm.s32 @!p0 $0x2;
	[sflag:s25] =	ssyncadd.s32 @!p0 $0xFFFFC000  }
0x41: {  	_ =	swait.ge @!p0 [sflag:s21], $0x4000  }
0x42: {  	[sflag:s21] =	ssyncset.done @!p0 $0x0  }
0x43: {  	[sflag:s21] =	ssyncadd.s32 @!p0 $0xFFFFC000;
	s21 =	simm.s32 @!p0 $0x3  }
0x44: {  	_ =	swait.ge @!p0 [sflag:s21], $0x4000  }
0x45: {  	[sflag:s21] =	ssyncset.done @!p0 $0x0  }
0x46: {  	[sflag:s21] =	ssyncadd.s32 @!p0 $0xFFFFC000;
	s21 =	sadd.s32 @!p0 s20, s12  }
0x47: {  	[hbm4b:s21+s18] =	stream.linear.scatter @!p0 [tilespmem:s22], [sflag:$0x5], $0x4000, $0x38;
	[tilespmem:$0xC100] =	vst v63  }
0x48: {  	_ =	swait.ge @!p0 [sflag:s19], $0x4000  }
0x49: {  	[sflag:s19] =	ssyncset.done @!p0 $0x0  }
0x4a: {  	s21 =	sadd.s32 @!p0 s20, s11;
	[sflag:s19] =	ssyncadd.s32 @!p0 $0xFFFFC000  }
0x4b: {  	[hbm4b:s21+s18] =	stream.linear.scatter @!p0 [tilespmem:s23], [sflag:$0x5], $0x4000, $0x38;
	[tilespmem:$0xC100] =	vst v63  }
0x4c: {  	_ =	swait.ge @!p0 [sflag:s19], $0x4000  }
.Ltmp0:
0x4d: {  	[sflag:s19] =	ssyncset.done @!p0 $0x0;
	(pc) =	sbr.rel @p1 .LBB2_2-.Ltmp0, $4  }
0x4e: {  	[sflag:s19] =	ssyncadd.s32 @!p0 $0xFFFFC000;
	s19 =	sadd.s32 @!p0 s20, s9;
	s20 =	simm.s32 @!p0 $0x4  }
0x4f: {  	[hbm4b:s19+s18] =	stream.linear.scatter @!p0 [tilespmem:s24], [sflag:$0x4], $0x4000, $0x38;
	[tilespmem:$0xC100] =	vst v63  }
0x50: {  	s17 =	sadd.s32 $0x20, s17;
	s16 =	sadd.s32 $0x200, s16;
	_ =	swait.ge @!p0 [sflag:s20], $0x4000  }
0x51: {  	p2 =	sgt.u32 s17, $0x1869;
	s15 =	sadd.s32 $0x200, s15;
	[sflag:s20] =	ssyncset.done @!p0 $0x0  }
0x52: {  	s14 =	simm.s32 @!p2 $0x0  }
0x53: {  	s17 =	simm.s32 @!p2 $0x5;
	[sflag:s20] =	ssyncadd.s32 @!p0 $0xFFFFC000;
	p0 =	por p2, p2  }
0x54: {  	[tilespmem:s14], [sflag:$0x5] =	stream.linear.gather @!p0 [hbm4b:s16+s14], $0x80, $0x38;
	[tilespmem:$0xC100] =	vst v63  }
0x55: {  	_ =	swait.ge @!p0 [sflag:s17], $0x80  }
0x56: {  	[sflag:s17] =	ssyncset.done @!p0 $0x0  }
0x57: {  	s16 =	simm.s32 @!p0 $0x80;
	[sflag:s17] =	ssyncadd.s32 @!p0 $0xFFFFFF80  }
0x58: {  	[tilespmem:s16], [sflag:$0x5] =	stream.linear.gather @!p0 [hbm4b:s15+s14], $0x80, $0x38;
	[tilespmem:$0xC100] =	vst v63  }
0x59: {  	_ =	swait.ge @!p0 [sflag:s17], $0x80  }
0x5a: {  	[sflag:s17] =	ssyncset.done @!p0 $0x0  }
0x5b: {  	s15 =	simm.s32 @!p0 $0x100;
	[sflag:s17] =	ssyncadd.s32 @!p0 $0xFFFFFF80  }
0x5c: {  	[tilespmem:s15], [sflag:$0x1] =	stream.indirect.gather @!p0 [hbm4b:s3+s16], $0x80, s14, s16, $0xb8;
	[tilespmem:$0xC100] =	vst v63  }
0x5d: {  	s18 =	simm.s32 @!p0 $0x4100  }
0x5e: {  	[tilespmem:s18], [sflag:$0x2] =	stream.indirect.gather @!p0 [hbm4b:s4+s16], $0x80, s14, s16, $0xb8;
	[tilespmem:$0xC100] =	vst v63  }
0x5f: {  	s19 =	simm.s32 @!p0 $0x8100;
	s20 =	simm.s32 @!p0 $0x1  }
0x60: {  	[tilespmem:s19], [sflag:$0x3] =	stream.indirect.gather @!p0 [hbm4b:s5+s16], $0x80, s16, s16, $0xb8;
	[tilespmem:$0xC100] =	vst v63  }
0x61: {  	_ =	swait.ge @!p0 [sflag:s20], $0x4000  }
0x62: {  	[sflag:s20] =	ssyncset.done @!p0 $0x0  }
0x63: {  	s16 =	simm.s32 @!p0 $0x2;
	[sflag:s20] =	ssyncadd.s32 @!p0 $0xFFFFC000  }
0x64: {  	_ =	swait.ge @!p0 [sflag:s16], $0x4000  }
0x65: {  	[sflag:s16] =	ssyncset.done @!p0 $0x0  }
0x66: {  	[sflag:s16] =	ssyncadd.s32 @!p0 $0xFFFFC000;
	s16 =	simm.s32 @!p0 $0x3  }
0x67: {  	_ =	swait.ge @!p0 [sflag:s16], $0x4000  }
0x68: {  	[sflag:s16] =	ssyncset.done @!p0 $0x0  }
0x69: {  	[sflag:s16] =	ssyncadd.s32 @!p0 $0xFFFFC000;
	s16 =	sadd.s32 @!p0 s13, s12  }
0x6a: {  	[hbm4b:s16+s14] =	stream.linear.scatter @!p0 [tilespmem:s15], [sflag:$0x5], $0x4000, $0x38;
	[tilespmem:$0xC100] =	vst v63  }
0x6b: {  	_ =	swait.ge @!p0 [sflag:s17], $0x4000  }
0x6c: {  	[sflag:s17] =	ssyncset.done @!p0 $0x0  }
0x6d: {  	s15 =	sadd.s32 @!p0 s13, s11;
	[sflag:s17] =	ssyncadd.s32 @!p0 $0xFFFFC000  }
0x6e: {  	[hbm4b:s15+s14] =	stream.linear.scatter @!p0 [tilespmem:s18], [sflag:$0x5], $0x4000, $0x38;
	[tilespmem:$0xC100] =	vst v63  }
0x6f: {  	s1 =	sadd.s32 $0x1, s1;
	_ =	swait.ge @!p0 [sflag:s17], $0x4000  }
0x70: {  	p1 =	sne.s32 s1, s10;
	s13 =	sadd.s32 @!p0 s13, s9;
	[sflag:s17] =	ssyncset.done @!p0 $0x0  }
.Ltmp1:
0x71: {  	s15 =	simm.s32 @!p0 $0x4;
	[sflag:s17] =	ssyncadd.s32 @!p0 $0xFFFFC000;
	(pc) =	sbr.rel @p1 .LBB2_1-.Ltmp1, $4  }
0x72: {  	[hbm4b:s13+s14] =	stream.linear.scatter @!p0 [tilespmem:s19], [sflag:$0x4], $0x4000, $0x38;
	[tilespmem:$0xC100] =	vst v63  }
0x73: {  	_ =	swait.ge @!p0 [sflag:s15], $0x4000  }
0x74: {  	[sflag:s15] =	ssyncset.done @!p0 $0x0  }
0x75: {  	[sflag:s15] =	ssyncadd.s32 @!p0 $0xFFFFC000  }
0x76: {  	_ =	sfence.sel $0x180000  }
0x77: {  	[bflag:$0x0] =	sbarrier.arrive $0xFFFF  }
0x78: {  	p0 =	sne.s32 s2, $0x0;
	_ =	strace $0x90000047  }
0x79: {  	s0 =	sadd.s32 @!p0 $0x100000, s0;
	[bflag:$0x2] =	sbarrier.arrive $0xFFFF  }
0x7a: {  	[sflag:s0] =	ssyncadd.tile.s32 @!p0 $0x1;
	_ =	shalt  }
.Lfunc_end2:
_tile_overlayer_lowered:
.L_overlay_start_2:
0x7b: {  	(tag) =	ssettag $0x2  }
0x7c: {  	s0 =	rddreg [dreg:$0x0];
	s2 =	stileid.u32  }
0x7d: {  	s1 =	rddreg [dreg:$0x1];
	p0 =	sne.s32 s2, $0x0  }
0x7e: {  	s3 =	rddreg [dreg:$0x2];
	[bflag:$0x3] =	sbarrier.arrive $0xFFFF;
	s2 =	simm.s32 @!p0 $0x1C04  }
0x7f: {  	[timem:s3], [sflag:s2] =	dma.local @!p0 [hbm:s0], s1  }
0x80: {  	s0 =	simm.s32 @!p0 $0x4  }
0x81: {  	_ =	swait.ge @!p0 [sflag:s0], s1  }
0x82: {  	s1 =	ssub.s32 @!p0 $0x0, s1;
	[sflag:s0] =	ssyncset.done @!p0 $0x0  }
0x83: {  	[sflag:s0] =	ssyncadd.s32 @!p0 s1  }
0x84: {  	[bflag:$0x3] =	sbarrier.arrive $0xFFFF  }
0x85: {  	_ =	shalt  }

// kernel: kernel.9.cloned.1.call-start
scs
__scs_entry_jumppad:
0x0: {  	(pc) =	sbr.rel $0x88, $3  }
0x1: {  	(tag) =	ssettag $0x0;
	lr =	simm.s32 $0x1  }
0x2: {  	[smem:$0x3F91] =	sst lr;
	_ =	strace $0xD0000000  }
0x3: {  	_ = 	snop  }
0x4: {  	_ = 	snop  }
0x5: {  	_ = 	snop  }
0x6: {  	_ = 	snop  }
0x7: {  	_ = 	snop  }
__scs_overlays_trampoline_lowered:
0x8: {  	[smem:$0x3FA0] =	sst s0  }
0x9: {  	[smem:$0x3FA1] =	sst s1  }
0xa: {  	[smem:$0x3FA2] =	sst s2  }
0xb: {  	[smem:$0x3FA3] =	sst s3  }
0xc: {  	[smem:$0x3FA4] =	sst s4  }
0xd: {  	[smem:$0x3FA5] =	sst s5  }
0xe: {  	[smem:$0x3FA6] =	sst s6  }
0xf: {  	[smem:$0x3FA7] =	sst s7  }
0x10: {  	[smem:$0x3FA8] =	sst s8  }
0x11: {  	[smem:$0x3FA9] =	sst s9;
	s0 =	simm.s32 @!p0 $0x0  }
0x12: {  	s1 =	sld [smem:$0x3F8F];
	s0 =	simm.s32 @p0 $0x1  }
0x13: {  	[smem:$0x3FAA] =	sst s0;
	s0 =	simm.s32 @!p1 $0x0  }
0x14: {  	s2 =	sld [smem:$0x3F8E];
	s0 =	simm.s32 @p1 $0x1  }
0x15: {  	[smem:$0x3FAB] =	sst s0;
	s0 =	simm.s32 @!p2 $0x0  }
0x16: {  	s3 =	sld [smem:$0x3FDB];
	s0 =	simm.s32 @p2 $0x1  }
0x17: {  	s4 =	simm.s32 $0x1BF5;
	[smem:$0x3FAD] =	sst s0  }
0x18: {  	s0 =	sld [smem:$0x3F90];
	_ =	swait.ge [sflag:s4], $0x0  }
0x19: {  	s7 =	sld [smem:$0x3F91]  }
0x1a: {  	s8 =	sadd.s32 $0xFFFFE003, lr  }
0x1b: {  	s9 =	sadd.s32 $0xFFFFFEF7, lr;
	s5 =	simm.s32 $0xFFFFFFFF;
	p2 =	slt.u32 s8, $0xFFFFF086  }
0x1c: {  	p1 =	slt.u32 s9, $0xF7A;
	s5 =	simm.s32 @!p2 $0x0  }
0x1d: {  	s5 =	simm.s32 @p1 $0x1;
	p0 =	seq.s32 s7, s2  }
0x1e: {  	s7 =	smul.u32 @!p0 $0xF7A, s2;
	p2 =	seq.s32 @!p0 s5, $0x0  }
0x1f: {  	s9 =	smul.u32 $0xF7A, s1;
	s8 =	simm.s32 @!p0 $0x1BF5;
	p2 =	por !p2, p0  }
0x20: {  	[sflag:s8] =	ssyncset.s32 @!p0 $0xFFFFF086;
	s6 =	sadd.s32 @!p0 s3, s7;
	s7 =	simm.s32 @!p0 $0x108  }
0x21: {  	s3 =	sadd.s32 s3, s9;
	s6 =	sadd.s32 @!p0 $0x88, s6;
	s7 =	simm.s32 @p2 $0x1082  }
0x22: {  	[simem:s7], [sflag:s8] =	dma.local @!p0 [hbm:s6], $0xF7A  }
0x23: {  	s9 =	sor.u32 $0xD0000000, s2;
	s6 =	simm.s32 $0x108;
	_ =	swait.ge @!p0 [sflag:s8], $0x0  }
0x24: {  	s3 =	sadd.s32 $0x88, s3;
	s6 =	simm.s32 @!p1 $0x1082;
	[sflag:s4] =	ssyncset.s32 $0xFFFFF086  }
0x25: {  	[simem:s6], [sflag:s4] =	dma.local [hbm:s3], $0xF7A  }
0x26: {  	[smem:$0x3F91] =	sst s1;
	(tag) =	ssettag s2;
	_ =	strace s9  }
0x27: {  	s1 =	sld [smem:$0x3FA1]  }
0x28: {  	s2 =	sld [smem:$0x3FA2]  }
0x29: {  	s4 =	sld [smem:$0x3FA4]  }
0x2a: {  	p0 =	seq.s32 s5, $0x0;
	s5 =	sld [smem:$0x3FA5]  }
0x2b: {  	s6 =	sld [smem:$0x3FA6]  }
0x2c: {  	s7 =	sld [smem:$0x3FA7]  }
0x2d: {  	s3 =	simm.s32 $0x108;
	s8 =	sld [smem:$0x3FA8]  }
0x2e: {  	s3 =	simm.s32 @!p0 $0x1082;
	s9 =	sld [smem:$0x3FA9]  }
0x2f: {  	lr =	sadd.s32 s0, s3;
	s0 =	sld [smem:$0x3FA0]  }
0x30: {  	s3 =	sld [smem:$0x3FA3]  }
0x31: {  	[smem:$0x3FAC] =	sst s10  }
0x32: {  	s10 =	sld [smem:$0x3FAA];
	_ =	sdelay $0x3  }
0x33: {  	p0 =	seq.s32 s10, $0x1;
	s10 =	sld [smem:$0x3FAC];
	_ =	sdelay $0x3  }
0x34: {  	[smem:$0x3FAC] =	sst s10  }
0x35: {  	s10 =	sld [smem:$0x3FAB];
	_ =	sdelay $0x3  }
0x36: {  	p1 =	seq.s32 s10, $0x1;
	s10 =	sld [smem:$0x3FAC];
	_ =	sdelay $0x3  }
0x37: {  	[smem:$0x3FAC] =	sst s10  }
0x38: {  	s10 =	sld [smem:$0x3FAD]  }
0x39: {  	_ = 	snop;
	(pc) =	sbr.ind lr, $3  }
0x3a: {  	_ = 	snop  }
0x3b: {  	_ = 	snop  }
0x3c: {  	p2 =	seq.s32 s10, $0x1;
	s10 =	sld [smem:$0x3FAC]  }
0x3d: {  	_ =	shalt  }
0x3e: {  	_ =	shalt  }
0x3f: {  	_ =	shalt  }
0x40: {  	_ =	shalt  }
0x41: {  	_ =	shalt  }
0x42: {  	_ =	shalt  }
0x43: {  	_ =	shalt  }
0x44: {  	_ =	shalt  }
0x45: {  	_ =	shalt  }
0x46: {  	_ =	shalt  }
0x47: {  	_ =	shalt  }
0x48: {  	_ =	shalt  }
0x49: {  	_ =	shalt  }
0x4a: {  	_ =	shalt  }
0x4b: {  	_ =	shalt  }
0x4c: {  	_ =	shalt  }
0x4d: {  	_ =	shalt  }
0x4e: {  	_ =	shalt  }
0x4f: {  	_ =	shalt  }
0x50: {  	_ =	shalt  }
0x51: {  	_ =	shalt  }
0x52: {  	_ =	shalt  }
0x53: {  	_ =	shalt  }
0x54: {  	_ =	shalt  }
0x55: {  	_ =	shalt  }
0x56: {  	_ =	shalt  }
0x57: {  	_ =	shalt  }
0x58: {  	_ =	shalt  }
0x59: {  	_ =	shalt  }
0x5a: {  	_ =	shalt  }
0x5b: {  	_ =	shalt  }
0x5c: {  	_ =	shalt  }
0x5d: {  	_ =	shalt  }
0x5e: {  	_ =	shalt  }
0x5f: {  	_ =	shalt  }
0x60: {  	_ =	shalt  }
0x61: {  	_ =	shalt  }
0x62: {  	_ =	shalt  }
0x63: {  	_ =	shalt  }
0x64: {  	_ =	shalt  }
0x65: {  	_ =	shalt  }
0x66: {  	_ =	shalt  }
0x67: {  	_ =	shalt  }
0x68: {  	_ =	shalt  }
0x69: {  	_ =	shalt  }
0x6a: {  	_ =	shalt  }
0x6b: {  	_ =	shalt  }
0x6c: {  	_ =	shalt  }
0x6d: {  	_ =	shalt  }
0x6e: {  	_ =	shalt  }
0x6f: {  	_ =	shalt  }
0x70: {  	_ =	shalt  }
0x71: {  	_ =	shalt  }
0x72: {  	_ =	shalt  }
0x73: {  	_ =	shalt  }
0x74: {  	_ =	shalt  }
0x75: {  	_ =	shalt  }
0x76: {  	_ =	shalt  }
0x77: {  	_ =	shalt  }
0x78: {  	_ =	shalt  }
0x79: {  	_ =	shalt  }
0x7a: {  	_ =	shalt  }
0x7b: {  	_ =	shalt  }
0x7c: {  	_ =	shalt  }
0x7d: {  	_ =	shalt  }
0x7e: {  	_ =	shalt  }
0x7f: {  	_ =	shalt  }
0x80: {  	_ =	shalt  }
0x81: {  	_ =	shalt  }
0x82: {  	_ =	shalt  }
0x83: {  	_ =	shalt  }
0x84: {  	_ =	shalt  }
0x85: {  	_ =	shalt  }
0x86: {  	_ =	shalt  }
0x87: {  	_ =	shalt  }
.Lfunc_end0:
.L_simem_size_0:
called_computation.1_lowered:
.L_overlay_start_0:
0x88: {  	s2 =	sld [smem:$0x3FD9]  }
0x89: {  	s3 =	sld [smem:$0x3FFE];
	_ =	sdelay $0x1  }
0x8a: {  	s1 =	srdreg.scid  }
0x8b: {  	s0 =	sand.u32 $0x1, s1  }
0x8c: {  	s17 =	sshll.u32 s0, $0xA;
	s2 =	sadd.s32 s3, s2  }
0x8d: {  	s2 =	sadd.s32 s2, s17  }
0x8e: {  	[smem:$0x3FB8] =	sst s2  }
0x8f: {  	_ = 	snop  }
0x90: {  	s2 =	sld [smem:$0x3FD0];
	(tm) =	ssettm $0x1  }
0x91: {  	s18 =	sld [smem:$0x3FFB];
	_ =	sdelay $0x3  }
0x92: {  	_ =	strace s18  }
0x93: {  	s3 =	sld [smem:$0x3FFC];
	_ =	sdelay $0x3  }
0x94: {  	_ =	strace s3  }
0x95: {  	s3 =	sld [smem:$0x3FFD];
	_ =	sdelay $0x3  }
0x96: {  	_ =	strace s3  }
0x97: {  	_ =	strace $0x8FFFFFFF  }
0x98: {  	s19 =	sld [smem:$0x3FDB];
	_ =	sdelay $0x1  }
0x99: {  	s4 =	simm.s32 $_scs_section_size  }
0x9a: {  	s5 =	simm.s32 $_size__tile_overlayer_lowered;
	s6 =	simm.s32 $_tile_overlayer_lowered  }
0x9b: {  	s22 =	simm.s32 $0x1BFF;
	s21 =	sshll.u32 s6, $0x1;
	s3 =	sadd.s32 s4, s19  }
0x9c: {  	s7 =	simm.s32 $0x0;
	s20 =	sshll.u32 s5, $0x1;
	s5 =	sadd.s32 s21, s3  }
0x9d: {  	[timem:s7], [sflag:s22] =	dma.local [hbm:s5], s20  }
0x9e: {  	_ =	swait.ge [sflag:s22], s20  }
0x9f: {  	s4 =	ssub.s32 $0x0, s20;
	[sflag:s22] =	ssyncset.done $0x0  }
0xa0: {  	[sflag:s22] =	ssyncadd.s32 s4;
	_ =	sdelay $0x1  }
0xa1: {  	s23 =	simm.s32 $0x1B8B  }
0xa2: {  	_ =	swait.ge [sflag:s23], $0x1  }
0xa3: {  	[sflag:s23] =	ssyncset.done $0x0  }
0xa4: {  	s25 =	simm.s32 $0x1B8E;
	s24 =	sld [smem:$0x3FFE];
	[sflag:s23] =	ssyncadd.s32 $0xFFFFFFFF  }
0xa5: {  	s26 =	simm.s32 $execute0_lowered;
	[smem:$0x3FD2] =	sst s25  }
0xa6: {  	s5 =	sshll.u32 s26, $0x1;
	_ =	strace $0x80000049;
	[dreg:$0x1] =	wrdreg $0xFFFFFFFF  }
0xa7: {  	s28 =	simm.s32 $_size_execute0_lowered;
	s3 =	sadd.s32 s3, s5;
	[dreg:$0x0] =	wrdreg $0x0  }
0xa8: {  	s5 =	sshll.u32 s28, $0x1;
	[dreg:$0x2] =	wrdreg s3  }
0xa9: {  	[dreg:$0x3] =	wrdreg s5  }
0xaa: {  	[dreg:$0x4] =	wrdreg $0xC0  }
0xab: {  	_ =	task [dreg:s7], $0x5FFFF  }
0xac: {  	[dreg:$0x1] =	wrdreg $0xFFFFFFFF  }
0xad: {  	[dreg:$0x0] =	wrdreg $0x60  }
0xae: {  	[dreg:$0x2] =	wrdreg s24  }
0xaf: {  	[dreg:$0x3] =	wrdreg s2  }
0xb0: {  	[dreg:$0x4] =	wrdreg $0x40800  }
0xb1: {  	[dreg:$0x5] =	wrdreg $0x9  }
0xb2: {  	_ =	task.clear_ibuf [dreg:s7], $0x6FFFF;
	_ =	strace $0x90000049  }
0xb3: {  	s29 =	simm.s32 $0x9;
	_ =	strace $0x8000004B  }
0xb4: {  	_ =	swait.ge [sflag:s29], $0x1  }
0xb5: {  	[sflag:s29] =	ssyncadd.s32 $0xFFFFFFFF  }
0xb6: {  	_ =	strace $0x9000004B  }
0xb7: {  	_ =	sfence  }
0xb8: {  	s30 =	sld [smem:$0x0];
	_ =	sdelay $0x2  }
0xb9: {  	s31 =	sshll.u32 s1, $0xD;
	s1 =	sshrl.u32 s1, $0x2  }
0xba: {  	s3 =	sand.u32 $0x4000, s31;
	s1 =	sadd.s32 s1, s30  }
0xbb: {  	s0 =	sor.u32 s3, s0;
	s1 =	sshll.u32 s1, $0x11  }
0xbc: {  	s0 =	sor.u32 s1, s0  }
0xbd: {  	s0 =	sadd.s32 $0x8F2B, s0  }
0xbe: {  	[sflag:s0] =	ssyncadd.remote.s32 $0x1  }
0xbf: {  	_ =	sfence.sel $0xFFFF  }
0xc0: {  	[dreg:$0x0] =	wrdreg $0xFFFFFFFF;
	(pc) =	sbr.abs _section_cstart, $3  }
0xc1: {  	[dreg:$0x1] =	wrdreg $0xFFFFFFFF  }
0xc2: {  	_ =	task.clear_ibuf [dreg:s7], $0x2FFFF;
	_ =	strace $0x9FFFFFFF  }
0xc3: {  	(tm) =	ssettm $0x7FFFFFFF  }
tec
execute0_lowered:
.L_overlay_start_1:
0x0: {  	(tag) =	ssettag $0x1  }
0x1: {  	s5 =	rddreg [dreg:$0x0]  }
0x2: {  	s11 =	rddreg [dreg:$0x1]  }
0x3: {  	s2 =	rddreg [dreg:$0x2]  }
0x4: {  	s0 =	rddreg [dreg:$0x3];
	s3 =	simm.s32 $0x0;
	s1 =	stileid.u32  }
0x5: {  	s6 =	srdreg.scid;
	[smem:$0x7FF] =	sst s3;
	s4 =	sshll.u32 s1, $0xB  }
0x6: {  	s7 =	sand.u32 $0x1, s6;
	s9 =	sadd.s32 $0x6000, s5;
	s12 =	smul.u32 $0x62000, s1  }
0x7: {  	s22 =	smul.u32 $0x310, s1;
	s14 =	sshll.u32 s1, $0x6;
	s31 =	sshll.u32 s1, $0x4  }
0x8: {  	_ =	strace $0x8000004A;
	s10 =	sadd.s32 s4, s5;
	s8 =	smul.u32 $0x6200, s7  }
0x9: {  	s4 =	sadd.s32 $0x2E00, s5;
	s6 =	ssub.s32 $0x2, s7;
	s25 =	smul.u32 $0x30D4, s7  }
0xa: {  	s23 =	sshllo.u32 s7, $0x1;
	s5 =	sor.u32 $0x1C03, s14;
	s28 =	smul.u32 $0x30D40, s7  }
0xb: {  	s21 =	sshrl.u32 s6, $0x1;
	s12 =	sshrl.u32 s12, $0x2;
	s15 =	smul.u32 $0x3100, s23  }
0xc: {  	s10 =	sadd.s32 $0x41E9A00, s10;
	s13 =	ssub.s32 s6, s21;
	s12 =	sadd.s32 s12, s2  }
0xd: {  	s8 =	sadd.s32 s22, s8;
	s29 =	sadd.s32 s1, s25;
	s30 =	sadd.s32 s28, s11  }
0xe: {  	s8 =	sshll.u32 s8, $0x4;
	s24 =	sadd.s32 s22, s15;
	s15 =	sshll.u32 s29, $0x4  }
0xf: {  	s12 =	sshrl.u32 s12, $0x3;
	s6 =	sadd.s32 s9, s8;
	s26 =	sshll.u32 s24, $0x4  }
0x10: {  	s8 =	smax.u32 s13, $0x1;
	s11 =	sadd.s32 s11, s15;
	s13 =	simm.s32 $0x3  }
0x11: {  	s7 =	sadd.s32 s9, s26;
	s9 =	sadd.s32 s31, s30;
	s11 =	sadd.s32 $0x186A0, s11  }
.LBB2_1:
0x12: {  	[spmem:s12], [sflag:s5] =	dma.local [hbm:s4], $0x3100  }
0x13: {  	_ =	swait.ge [sflag:s13], $0x3100  }
0x14: {  	s14 =	sadd.s32 $0x0, s1;
	[sflag:s13] =	ssyncset.done $0x0  }
0x15: {  	p0 =	sgt.u32 s14, $0x1869;
	[sflag:s13] =	ssyncadd.s32 $0xFFFFCF00  }
0x16: {  	s15 =	simm.s32 @!p0 $0x0;
	s16 =	simm.s32 @!p0 $0x4000;
	[bflag:$0x0] =	sbarrier.arrive $0xFFFF  }
0x17: {  	[tilespmem:s16], [sflag:$0x2] =	stream.linear.gather @!p0 [hbm4b:s9+s15], $0x80, $0x38;
	[tilespmem:$0x1C880] =	vst v63  }
0x18: {  	s14 =	simm.s32 @!p0 $0x2  }
0x19: {  	[tilespmem:s15], [sflag:$0x1] =	stream.linear.gather @!p0 [hbm4b:s10+s15], $0x4000, $0x38;
	[tilespmem:$0x1C880] =	vst v63  }
0x1a: {  	_ =	swait.ge @!p0 [sflag:s14], $0x80;
	p0 =	por p0, p0  }
0x1b: {  	[sflag:s14] =	ssyncset.done @!p0 $0x0  }
0x1c: {  	s17 =	simm.s32 @!p0 $0x1;
	[sflag:s14] =	ssyncadd.s32 @!p0 $0xFFFFFF80  }
0x1d: {  	_ =	swait.ge @!p0 [sflag:s17], $0x4000  }
0x1e: {  	s31 =	sadd.s32 $0x10, s1;
	s18 =	simm.s32 @!p0 $0x80;
	[sflag:s17] =	ssyncset.done @!p0 $0x0  }
0x1f: {  	[sflag:s17] =	ssyncadd.s32 @!p0 $0xFFFFC000;
	(ifvalue) =	ssetifvalue @!p0 $0xFFFFFFFF;
	s17 =	simm.s32 @!p0 $0x3  }
0x20: {  	[spmem:s2] =	stream.indirect.scatter.add.f32 @!p0 [tilespmem:s15], [sflag:$0x3], $0x80, s16, s18, $0x40b8;
	[tilespmem:$0x1C880] =	vst v63  }
0x21: {  	p1 =	sgt.u32 s31, $0x1869;
	s14 =	simm.s32 $0x20;
	_ =	swait.ge @!p0 [sflag:s17], $0x4000  }
0x22: {  	s15 =	sadd.s32 $0x8000, s10;
	s16 =	sadd.s32 $0x100, s9;
	[sflag:s17] =	ssyncset.done @!p0 $0x0  }
.LBB2_2:
0x23: {  	s18 =	simm.s32 @!p1 $0x0;
	s19 =	simm.s32 @!p1 $0x4000;
	[sflag:s17] =	ssyncadd.s32 @!p0 $0xFFFFC000  }
0x24: {  	[tilespmem:s19], [sflag:$0x2] =	stream.linear.gather @!p1 [hbm4b:s16+s18], $0x80, $0x38;
	[tilespmem:$0x1C880] =	vst v63  }
0x25: {  	s17 =	simm.s32 @!p1 $0x2;
	s20 =	smov.u32 s14;
	s14 =	sadd.s32 $0x10, s14  }
0x26: {  	[tilespmem:s18], [sflag:$0x1] =	stream.linear.gather @!p1 [hbm4b:s15+s18], $0x4000, $0x38;
	[tilespmem:$0x1C880] =	vst v63  }
0x27: {  	p0 =	por p1, p1;
	p2 =	sne.s32 s14, $0x1870;
	_ =	swait.ge @!p1 [sflag:s17], $0x80  }
0x28: {  	[sflag:s17] =	ssyncset.done @!p0 $0x0  }
0x29: {  	[sflag:s17] =	ssyncadd.s32 @!p0 $0xFFFFFF80;
	s17 =	simm.s32 @!p0 $0x1  }
0x2a: {  	_ =	swait.ge @!p0 [sflag:s17], $0x4000  }
0x2b: {  	[sflag:s17] =	ssyncset.done @!p0 $0x0  }
.Ltmp0:
0x2c: {  	[sflag:s17] =	ssyncadd.s32 @!p0 $0xFFFFC000;
	(pc) =	sbr.rel @p2 .LBB2_2-.Ltmp0, $4  }
0x2d: {  	s21 =	simm.s32 @!p0 $0x80;
	s17 =	simm.s32 @!p0 $0x3;
	(ifvalue) =	ssetifvalue @!p0 $0xFFFFFFFF  }
0x2e: {  	[spmem:s2] =	stream.indirect.scatter.add.f32 @!p0 [tilespmem:s18], [sflag:$0x3], $0x80, s19, s21, $0x40b8;
	[tilespmem:$0x1C880] =	vst v63  }
0x2f: {  	s15 =	sadd.s32 $0x8000, s15;
	s18 =	sadd.s32 s20, s1;
	_ =	swait.ge @!p0 [sflag:s17], $0x4000  }
0x30: {  	s16 =	sadd.s32 $0x100, s16;
	p1 =	sgt.u32 s18, $0x1869;
	[sflag:s17] =	ssyncset.done @!p0 $0x0  }
0x31: {  	s14 =	simm.s32 @!p1 $0x0;
	s18 =	simm.s32 @!p1 $0x4000;
	[sflag:s17] =	ssyncadd.s32 @!p0 $0xFFFFC000  }
0x32: {  	[tilespmem:s18], [sflag:$0x2] =	stream.linear.gather @!p1 [hbm4b:s16+s14], $0x80, $0x38;
	[tilespmem:$0x1C880] =	vst v63  }
0x33: {  	s16 =	simm.s32 @!p1 $0x2  }
0x34: {  	[tilespmem:s14], [sflag:$0x1] =	stream.linear.gather @!p1 [hbm4b:s15+s14], $0x4000, $0x38;
	[tilespmem:$0x1C880] =	vst v63  }
0x35: {  	p0 =	por p1, p1;
	_ =	swait.ge @!p1 [sflag:s16], $0x80  }
0x36: {  	[sflag:s16] =	ssyncset.done @!p0 $0x0  }
0x37: {  	s15 =	simm.s32 @!p0 $0x1;
	[sflag:s16] =	ssyncadd.s32 @!p0 $0xFFFFFF80  }
0x38: {  	_ =	swait.ge @!p0 [sflag:s15], $0x4000  }
0x39: {  	s16 =	simm.s32 @!p0 $0x3;
	[sflag:s15] =	ssyncset.done @!p0 $0x0  }
0x3a: {  	[sflag:s15] =	ssyncadd.s32 @!p0 $0xFFFFC000;
	(ifvalue) =	ssetifvalue @!p0 $0xFFFFFFFF;
	s15 =	simm.s32 @!p0 $0x80  }
0x3b: {  	[spmem:s2] =	stream.indirect.scatter.add.f32 @!p0 [tilespmem:s14], [sflag:$0x3], $0x80, s18, s15, $0x40b8;
	[tilespmem:$0x1C880] =	vst v63  }
0x3c: {  	_ =	swait.ge @!p0 [sflag:s16], $0x4000  }
0x3d: {  	[sflag:s16] =	ssyncset.done @!p0 $0x0  }
0x3e: {  	[sflag:s16] =	ssyncadd.s32 @!p0 $0xFFFFC000  }
0x3f: {  	[bflag:$0x0] =	sbarrier.arrive $0xFFFF  }
0x40: {  	[hbm:s6], [sflag:s5] =	dma.local [spmem:s12], $0x3100  }
0x41: {  	_ =	swait.ge [sflag:s13], $0x3100  }
0x42: {  	[sflag:s13] =	ssyncset.done $0x0  }
0x43: {  	[sflag:s13] =	ssyncadd.s32 $0xFFFFCF00  }
0x44: {  	[bflag:$0x0] =	sbarrier.arrive $0xFFFF  }
0x45: {  	[spmem:s12], [sflag:s5] =	dma.local [hbm:s4], $0x3100  }
0x46: {  	_ =	swait.ge [sflag:s13], $0x3100  }
0x47: {  	s30 =	sadd.s32 $0x0, s1;
	[sflag:s13] =	ssyncset.done $0x0  }
0x48: {  	p0 =	sgt.u32 s30, $0x1869;
	[sflag:s13] =	ssyncadd.s32 $0xFFFFCF00  }
0x49: {  	s15 =	simm.s32 @!p0 $0x0;
	s16 =	simm.s32 @!p0 $0x4000;
	[bflag:$0x0] =	sbarrier.arrive $0xFFFF  }
0x4a: {  	[tilespmem:s16], [sflag:$0x2] =	stream.linear.gather @!p0 [hbm4b:s11+s15], $0x80, $0x38;
	[tilespmem:$0x1C880] =	vst v63  }
0x4b: {  	s14 =	simm.s32 @!p0 $0x2  }
0x4c: {  	[tilespmem:s15], [sflag:$0x1] =	stream.linear.gather @!p0 [hbm4b:s10+s15], $0x4000, $0x38;
	[tilespmem:$0x1C880] =	vst v63  }
0x4d: {  	_ =	swait.ge @!p0 [sflag:s14], $0x80;
	p0 =	por p0, p0  }
0x4e: {  	[sflag:s14] =	ssyncset.done @!p0 $0x0  }
0x4f: {  	s17 =	simm.s32 @!p0 $0x1;
	[sflag:s14] =	ssyncadd.s32 @!p0 $0xFFFFFF80  }
0x50: {  	_ =	swait.ge @!p0 [sflag:s17], $0x4000  }
0x51: {  	s31 =	sadd.s32 $0x10, s1;
	s18 =	simm.s32 @!p0 $0x80;
	[sflag:s17] =	ssyncset.done @!p0 $0x0  }
0x52: {  	[sflag:s17] =	ssyncadd.s32 @!p0 $0xFFFFC000;
	(ifvalue) =	ssetifvalue @!p0 $0xFFFFFFFF;
	s17 =	simm.s32 @!p0 $0x3  }
0x53: {  	[spmem:s2] =	stream.indirect.scatter.add.f32 @!p0 [tilespmem:s15], [sflag:$0x3], $0x80, s16, s18, $0x40b8;
	[tilespmem:$0x1C880] =	vst v63  }
0x54: {  	p1 =	sgt.u32 s31, $0x1869;
	s14 =	simm.s32 $0x20;
	_ =	swait.ge @!p0 [sflag:s17], $0x4000  }
0x55: {  	s15 =	sadd.s32 $0x8000, s10;
	s16 =	sadd.s32 $0x100, s11;
	[sflag:s17] =	ssyncset.done @!p0 $0x0  }
.LBB2_4:
0x56: {  	s18 =	simm.s32 @!p1 $0x0;
	s19 =	simm.s32 @!p1 $0x4000;
	[sflag:s17] =	ssyncadd.s32 @!p0 $0xFFFFC000  }
0x57: {  	[tilespmem:s19], [sflag:$0x2] =	stream.linear.gather @!p1 [hbm4b:s16+s18], $0x80, $0x38;
	[tilespmem:$0x1C880] =	vst v63  }
0x58: {  	s17 =	simm.s32 @!p1 $0x2;
	s20 =	smov.u32 s14;
	s14 =	sadd.s32 $0x10, s14  }
0x59: {  	[tilespmem:s18], [sflag:$0x1] =	stream.linear.gather @!p1 [hbm4b:s15+s18], $0x4000, $0x38;
	[tilespmem:$0x1C880] =	vst v63  }
0x5a: {  	p0 =	por p1, p1;
	p2 =	sne.s32 s14, $0x1870;
	_ =	swait.ge @!p1 [sflag:s17], $0x80  }
0x5b: {  	[sflag:s17] =	ssyncset.done @!p0 $0x0  }
0x5c: {  	[sflag:s17] =	ssyncadd.s32 @!p0 $0xFFFFFF80;
	s17 =	simm.s32 @!p0 $0x1  }
0x5d: {  	_ =	swait.ge @!p0 [sflag:s17], $0x4000  }
0x5e: {  	[sflag:s17] =	ssyncset.done @!p0 $0x0  }
.Ltmp1:
0x5f: {  	[sflag:s17] =	ssyncadd.s32 @!p0 $0xFFFFC000;
	(pc) =	sbr.rel @p2 .LBB2_4-.Ltmp1, $4  }
0x60: {  	s21 =	simm.s32 @!p0 $0x80;
	s17 =	simm.s32 @!p0 $0x3;
	(ifvalue) =	ssetifvalue @!p0 $0xFFFFFFFF  }
0x61: {  	[spmem:s2] =	stream.indirect.scatter.add.f32 @!p0 [tilespmem:s18], [sflag:$0x3], $0x80, s19, s21, $0x40b8;
	[tilespmem:$0x1C880] =	vst v63  }
0x62: {  	s15 =	sadd.s32 $0x8000, s15;
	s18 =	sadd.s32 s20, s1;
	_ =	swait.ge @!p0 [sflag:s17], $0x4000  }
0x63: {  	s16 =	sadd.s32 $0x100, s16;
	p1 =	sgt.u32 s18, $0x1869;
	[sflag:s17] =	ssyncset.done @!p0 $0x0  }
0x64: {  	s14 =	simm.s32 @!p1 $0x0;
	s18 =	simm.s32 @!p1 $0x4000;
	[sflag:s17] =	ssyncadd.s32 @!p0 $0xFFFFC000  }
0x65: {  	[tilespmem:s18], [sflag:$0x2] =	stream.linear.gather @!p1 [hbm4b:s16+s14], $0x80, $0x38;
	[tilespmem:$0x1C880] =	vst v63  }
0x66: {  	s16 =	simm.s32 @!p1 $0x2  }
0x67: {  	[tilespmem:s14], [sflag:$0x1] =	stream.linear.gather @!p1 [hbm4b:s15+s14], $0x4000, $0x38;
	[tilespmem:$0x1C880] =	vst v63  }
0x68: {  	p0 =	por p1, p1;
	_ =	swait.ge @!p1 [sflag:s16], $0x80  }
0x69: {  	[sflag:s16] =	ssyncset.done @!p0 $0x0  }
0x6a: {  	s15 =	simm.s32 @!p0 $0x1;
	[sflag:s16] =	ssyncadd.s32 @!p0 $0xFFFFFF80  }
0x6b: {  	_ =	swait.ge @!p0 [sflag:s15], $0x4000  }
0x6c: {  	s16 =	simm.s32 @!p0 $0x3;
	[sflag:s15] =	ssyncset.done @!p0 $0x0  }
0x6d: {  	[sflag:s15] =	ssyncadd.s32 @!p0 $0xFFFFC000;
	(ifvalue) =	ssetifvalue @!p0 $0xFFFFFFFF;
	s15 =	simm.s32 @!p0 $0x80  }
0x6e: {  	[spmem:s2] =	stream.indirect.scatter.add.f32 @!p0 [tilespmem:s14], [sflag:$0x3], $0x80, s18, s15, $0x40b8;
	[tilespmem:$0x1C880] =	vst v63  }
0x6f: {  	_ =	swait.ge @!p0 [sflag:s16], $0x4000  }
0x70: {  	[sflag:s16] =	ssyncset.done @!p0 $0x0  }
0x71: {  	s3 =	sadd.s32 $0x1, s3;
	[sflag:s16] =	ssyncadd.s32 @!p0 $0xFFFFC000  }
0x72: {  	p0 =	sne.s32 s3, s8;
	[bflag:$0x0] =	sbarrier.arrive $0xFFFF  }
0x73: {  	[hbm:s7], [sflag:s5] =	dma.local [spmem:s12], $0x3100  }
.Ltmp2:
0x74: {  	_ =	swait.ge [sflag:s13], $0x3100;
	(pc) =	sbr.rel @p0 .LBB2_1-.Ltmp2, $3  }
0x75: {  	[sflag:s13] =	ssyncset.done $0x0  }
0x76: {  	[sflag:s13] =	ssyncadd.s32 $0xFFFFCF00  }
0x77: {  	[bflag:$0x0] =	sbarrier.arrive $0xFFFF;
	_ =	sdelay $0x1  }
0x78: {  	_ =	sfence.sel $0x180000  }
0x79: {  	[bflag:$0x0] =	sbarrier.arrive $0xFFFF  }
0x7a: {  	p0 =	sne.s32 s1, $0x0;
	_ =	strace $0x9000004A  }
0x7b: {  	s0 =	sadd.s32 @!p0 $0x100000, s0;
	[bflag:$0x2] =	sbarrier.arrive $0xFFFF  }
0x7c: {  	[sflag:s0] =	ssyncadd.tile.s32 @!p0 $0x1;
	_ =	shalt  }
.Lfunc_end2:
_tile_overlayer_lowered:
.L_overlay_start_2:
0x7d: {  	(tag) =	ssettag $0x2  }
0x7e: {  	s0 =	rddreg [dreg:$0x0];
	s2 =	stileid.u32  }
0x7f: {  	s1 =	rddreg [dreg:$0x1];
	p0 =	sne.s32 s2, $0x0  }
0x80: {  	s3 =	rddreg [dreg:$0x2];
	[bflag:$0x3] =	sbarrier.arrive $0xFFFF;
	s2 =	simm.s32 @!p0 $0x1C03  }
0x81: {  	[timem:s3], [sflag:s2] =	dma.local @!p0 [hbm:s0], s1  }
0x82: {  	s0 =	simm.s32 @!p0 $0x3  }
0x83: {  	_ =	swait.ge @!p0 [sflag:s0], s1  }
0x84: {  	s1 =	ssub.s32 @!p0 $0x0, s1;
	[sflag:s0] =	ssyncset.done @!p0 $0x0  }
0x85: {  	[sflag:s0] =	ssyncadd.s32 @!p0 s1  }
0x86: {  	[bflag:$0x3] =	sbarrier.arrive $0xFFFF  }
0x87: {  	_ =	shalt  }

</sc_bundles>
